<compile_context>
chip_gen: v7x
topology: tpu7x:2x2x1
jax: 0.10.2.dev20260603
libtpu: 0.0.44.dev20260713+nightly
codegen_flags: <defaults>
</compile_context>

<pallas_src>
import functools

import jax
import jax.numpy as jnp
from jax import lax
from jax.experimental import pallas as pl
from jax.experimental.pallas import tpu as pltpu
from jax.experimental.pallas import tpu_sc as plsc

N_TOTAL = 8 * 128 * 128 * 64
KSEL = float(int(N_TOTAL * 0.1))
NCORES = 2
NSUB = 16
NW = NCORES * NSUB
PER_W = N_TOTAL // NW
CHUNK = 8192
N_CHUNKS = PER_W // CHUNK
LANES = 16
NBINS = 32768
ROWS = 256
COLS = 128


NBUF = 3


def _hist_body(p_hbm, t_hbm, cnt_hbm, pbuf, tbuf, hcnt,
               sp0, sp1, sp2, st0, st1, st2):
    wid = lax.axis_index("s") * NCORES + lax.axis_index("c")
    base_slab = wid * N_CHUNKS
    psems = (sp0, sp1, sp2)
    tsems = (st0, st1, st2)

    def slab_refs(chunk):
        g = base_slab + chunk
        b_ = lax.shift_right_logical(g, 7)
        r_ = lax.bitwise_and(g, 127)
        return p_hbm.at[b_, r_], t_hbm.at[b_, r_]

    def issue(chunk, buf):
        psrc, tsrc = slab_refs(chunk)
        pltpu.make_async_copy(psrc, pbuf.at[buf], psems[buf]).start()
        pltpu.make_async_copy(tsrc, tbuf.at[buf], tsems[buf]).start()

    def wait(chunk, buf):
        psrc, tsrc = slab_refs(chunk)
        pltpu.make_async_copy(psrc, pbuf.at[buf], psems[buf]).wait()
        pltpu.make_async_copy(tsrc, tbuf.at[buf], tsems[buf]).wait()

    for c0 in range(NBUF - 1):
        issue(c0, c0)

    def zero_body(i, carry):
        hcnt[pl.ds(i * LANES, LANES)] = jnp.zeros((LANES,), jnp.int32)
        return carry

    lax.fori_loop(0, NBINS // LANES, zero_body, 0)

    ones = jnp.ones((LANES,), jnp.int32)

    def compute(buf):
        def row_body(rr, carry):
            locs = [(2 * rr + (c // 4), (c % 4) * LANES) for c in range(8)]
            ps = [pbuf[buf, r, pl.ds(o, LANES)] for r, o in locs]
            ts = [tbuf[buf, r, pl.ds(o, LANES)] for r, o in locs]
            ds = [jnp.abs(pv - tv) for pv, tv in zip(ps, ts)]
            bins = [
                lax.shift_right_logical(lax.bitcast_convert_type(d, jnp.int32), 16)
                for d in ds
            ]
            for bin_ in bins:
                plsc.addupdate_scatter(hcnt, [bin_], ones)
            return carry

        lax.fori_loop(0, 64, row_body, 0)

    @pl.loop(0, N_CHUNKS, step=NBUF)
    def _chunk_loop(ci):
        for b in range(NBUF):
            chunk = ci + b

            @pl.when(chunk < N_CHUNKS)
            def _body():
                nxt = chunk + (NBUF - 1)

                @pl.when(nxt < N_CHUNKS)
                def _prefetch():
                    issue(nxt, (b + NBUF - 1) % NBUF)

                wait(chunk, b)
                compute(b)

    pltpu.sync_copy(hcnt, cnt_hbm.at[wid])


_sc_hist = functools.partial(
    pl.kernel,
    mesh=plsc.VectorSubcoreMesh(core_axis_name="c", subcore_axis_name="s"),
    out_type=jax.ShapeDtypeStruct((NW, NBINS), jnp.int32),
    scratch_types=[
        pltpu.VMEM((NBUF, 128, 64), jnp.float32),
        pltpu.VMEM((NBUF, 128, 64), jnp.float32),
        pltpu.VMEM((NBINS,), jnp.int32),
        pltpu.SemaphoreType.DMA,
        pltpu.SemaphoreType.DMA,
        pltpu.SemaphoreType.DMA,
        pltpu.SemaphoreType.DMA,
        pltpu.SemaphoreType.DMA,
        pltpu.SemaphoreType.DMA,
    ],
    compiler_params=pltpu.CompilerParams(needs_layout_passes=False),
)(_hist_body)


def _select_body(cnt_ref, out_ref):
    c = jnp.sum(cnt_ref[...].astype(jnp.float32), axis=0)

    rr = lax.broadcasted_iota(jnp.int32, (ROWS, COLS), 0)
    cc = lax.broadcasted_iota(jnp.int32, (ROWS, COLS), 1)
    jglob = rr * COLS + cc
    v = lax.bitcast_convert_type((jglob << 16) | 0x8000, jnp.float32)
    s = c * v

    ii = lax.broadcasted_iota(jnp.int32, (COLS, COLS), 0)
    jj = lax.broadcasted_iota(jnp.int32, (COLS, COLS), 1)
    upper = (ii >= jj).astype(jnp.float32)
    ir_c = jnp.dot(c, upper, preferred_element_type=jnp.float32)
    ir_s = jnp.dot(s, upper, preferred_element_type=jnp.float32)

    rc = jnp.sum(c, axis=1, keepdims=True)
    rs = jnp.sum(s, axis=1, keepdims=True)
    i2 = lax.broadcasted_iota(jnp.int32, (ROWS, ROWS), 0)
    j2 = lax.broadcasted_iota(jnp.int32, (ROWS, ROWS), 1)
    strict = (j2 > i2).astype(jnp.float32)
    g_c = jnp.dot(strict, rc, preferred_element_type=jnp.float32)
    g_s = jnp.dot(strict, rs, preferred_element_type=jnp.float32)

    s_cnt = g_c + ir_c
    s_sum = g_s + ir_s

    mask = jnp.logical_and(s_cnt >= KSEL, (s_cnt - c) < KSEL)
    mf = mask.astype(jnp.float32)
    cb = jnp.sum(mf * c)
    sb = jnp.sum(mf * s)
    vb = jnp.sum(mf * v)
    scnt_b = jnp.sum(mf * s_cnt)
    ssum_b = jnp.sum(mf * s_sum)

    m = KSEL - (scnt_b - cb)
    loss = (ssum_b - sb + m * vb) / KSEL
    out_ref[...] = jnp.broadcast_to(loss, (1, 1))


def kernel(preds, targets):
    cnt = _sc_hist(preds, targets)
    loss = pl.pallas_call(
        _select_body,
        out_shape=jax.ShapeDtypeStruct((1, 1), jnp.float32),
    )(cnt.reshape(NW, ROWS, COLS))
    return loss.reshape(())

# --- scband reference (transcript-rebuilt; emitter-appended) ---
"""Pipeline reference for scband-top-k-reg-loss-81810537054811 (READ-ONLY COPY).

The authoritative reference and input builder live on the scoring server;
editing this copy changes nothing except your own understanding.
"""

import jax, jax.numpy as jnp
import numpy as np

TOPK = 0.1

def setup_inputs(seed: int = 0) -> dict:
    key = jax.random.key(seed)
    k1, k2 = jax.random.split(key)
    preds = jax.random.normal(k1, (8, 128, 128, 64), dtype=jnp.float32)
    targets = jax.random.normal(k2, (8, 128, 128, 64), dtype=jnp.float32)
    return {"preds": preds, "targets": targets}

def reference(preds, targets):
    # K = |preds - targets| flattened
    K = jnp.abs(preds - targets).reshape(-1)
    # 4D branch: k = n*h*w*d*topK
    k = int(preds.shape[0] * preds.shape[1] * preds.shape[2] * preds.shape[3] * TOPK)
    V, I = jax.lax.top_k(K, k)  # largest=True, sorted=True semantics
    loss = jnp.mean(V)
    return loss

if __name__ == "__main__":
    import jax
    _d = setup_inputs()
    print(jax.jit(kernel)(*tuple(_d.values())))

</pallas_src>

<mosaic_0001>
#map = affine_map<(d0, d1) -> (0, 0, 0, 0)>
#map1 = affine_map<(d0, d1) -> (0, 0)>
module attributes {stable_mosaic.version = 14 : i64} {
  func.func @_hist_body(%arg0: i32, %arg1: i32, %arg2: memref<8x128x128x64xf32, #tpu.memory_space<hbm>>, %arg3: memref<8x128x128x64xf32, #tpu.memory_space<hbm>>, %arg4: memref<32x32768xi32, #tpu.memory_space<hbm>>, %arg5: memref<3x128x64xf32, #tpu.memory_space<vmem>>, %arg6: memref<3x128x64xf32, #tpu.memory_space<vmem>>, %arg7: memref<32768xi32, #tpu.memory_space<vmem>>, %arg8: memref<!tpu.dma_semaphore, #tpu.memory_space<semaphore_mem>>, %arg9: memref<!tpu.dma_semaphore, #tpu.memory_space<semaphore_mem>>, %arg10: memref<!tpu.dma_semaphore, #tpu.memory_space<semaphore_mem>>, %arg11: memref<!tpu.dma_semaphore, #tpu.memory_space<semaphore_mem>>, %arg12: memref<!tpu.dma_semaphore, #tpu.memory_space<semaphore_mem>>, %arg13: memref<!tpu.dma_semaphore, #tpu.memory_space<semaphore_mem>>) attributes {dimension_semantics = [#tpu.dimension_semantics<core_parallel>, #tpu.dimension_semantics<subcore_parallel>], iteration_bounds = array<i64: 2, 16>, scalar_prefetch = 0 : i64, scratch_operands = 9 : i64, tpu.core_type = #tpu.core_type<sc_vector_subcore>, window_params = [{transform_indices = #map}, {transform_indices = #map}, {transform_indices = #map1}]} {
    %mul3A = arith.constant 2 : i32
    %mul3A_0 = arith.muli %arg1, %mul3A : i32
    %add3A = arith.addi %mul3A_0, %arg0 : i32
    %mul3A_1 = arith.constant 32 : i32
    %mul3A_2 = arith.muli %add3A, %mul3A_1 : i32
    %add3A_3 = arith.constant 0 : i32
    %add3A_4 = arith.addi %mul3A_2, %add3A_3 : i32
    %shift_right_logical3A = arith.constant 7 : i32
    %shift_right_logical3A_5 = arith.shrui %add3A_4, %shift_right_logical3A : i32
    %and3A = arith.constant 127 : i32
    %and3A_6 = arith.andi %add3A_4, %and3A : i32
    %dma_start3A = arith.constant 0 : i32
    %dma_start3A_7 = arith.constant 0 : i32
    %dma_start3A_8 = arith.constant 0 : i32
    %dma_start3A_9 = tpu.memref_slice %arg5[%dma_start3A, %dma_start3A_7, %dma_start3A_8] : memref<3x128x64xf32, #tpu.memory_space<vmem>> -> memref<1x128x64xf32, #tpu.memory_space<vmem>>
    %dma_start3A_10 = tpu.memref_squeeze %dma_start3A_9 : memref<1x128x64xf32, #tpu.memory_space<vmem>> -> memref<128x64xf32, #tpu.memory_space<vmem>>
    %dma_start3A_11 = arith.constant 0 : i32
    %dma_start3A_12 = arith.constant 0 : i32
    %dma_start3A_13 = tpu.memref_slice %arg2[%shift_right_logical3A_5, %and3A_6, %dma_start3A_11, %dma_start3A_12] : memref<8x128x128x64xf32, #tpu.memory_space<hbm>> -> memref<1x1x128x64xf32, #tpu.memory_space<hbm>>
    %dma_start3A_14 = tpu.memref_squeeze %dma_start3A_13 : memref<1x1x128x64xf32, #tpu.memory_space<hbm>> -> memref<128x64xf32, #tpu.memory_space<hbm>>
    %dma_start3A_15 = arith.constant 0 : i32
    %dma_start3A_16 = arith.constant 0 : i32
    %dma_start3A_17 = tpu.memref_slice %arg5[%dma_start3A, %dma_start3A_15, %dma_start3A_16] : memref<3x128x64xf32, #tpu.memory_space<vmem>> -> memref<1x128x64xf32, #tpu.memory_space<vmem>>
    %dma_start3A_18 = tpu.memref_squeeze %dma_start3A_17 : memref<1x128x64xf32, #tpu.memory_space<vmem>> -> memref<128x64xf32, #tpu.memory_space<vmem>>
    %dma_start3A_19 = arith.constant 0 : i32
    %dma_start3A_20 = arith.constant 0 : i32
    %dma_start3A_21 = tpu.memref_slice %arg2[%shift_right_logical3A_5, %and3A_6, %dma_start3A_19, %dma_start3A_20] : memref<8x128x128x64xf32, #tpu.memory_space<hbm>> -> memref<1x1x128x64xf32, #tpu.memory_space<hbm>>
    %dma_start3A_22 = tpu.memref_squeeze %dma_start3A_21 : memref<1x1x128x64xf32, #tpu.memory_space<hbm>> -> memref<128x64xf32, #tpu.memory_space<hbm>>
    tpu.enqueue_dma source(%dma_start3A_22 : memref<128x64xf32, #tpu.memory_space<hbm>>) target(%dma_start3A_18 : memref<128x64xf32, #tpu.memory_space<vmem>>) target_semaphore(%arg8 : memref<!tpu.dma_semaphore, #tpu.memory_space<semaphore_mem>>)
    %dma_start3A_23 = arith.constant 0 : i32
    %dma_start3A_24 = arith.constant 0 : i32
    %dma_start3A_25 = arith.constant 0 : i32
    %dma_start3A_26 = tpu.memref_slice %arg6[%dma_start3A_23, %dma_start3A_24, %dma_start3A_25] : memref<3x128x64xf32, #tpu.memory_space<vmem>> -> memref<1x128x64xf32, #tpu.memory_space<vmem>>
    %dma_start3A_27 = tpu.memref_squeeze %dma_start3A_26 : memref<1x128x64xf32, #tpu.memory_space<vmem>> -> memref<128x64xf32, #tpu.memory_space<vmem>>
    %dma_start3A_28 = arith.constant 0 : i32
    %dma_start3A_29 = arith.constant 0 : i32
    %dma_start3A_30 = tpu.memref_slice %arg3[%shift_right_logical3A_5, %and3A_6, %dma_start3A_28, %dma_start3A_29] : memref<8x128x128x64xf32, #tpu.memory_space<hbm>> -> memref<1x1x128x64xf32, #tpu.memory_space<hbm>>
    %dma_start3A_31 = tpu.memref_squeeze %dma_start3A_30 : memref<1x1x128x64xf32, #tpu.memory_space<hbm>> -> memref<128x64xf32, #tpu.memory_space<hbm>>
    %dma_start3A_32 = arith.constant 0 : i32
    %dma_start3A_33 = arith.constant 0 : i32
    %dma_start3A_34 = tpu.memref_slice %arg6[%dma_start3A_23, %dma_start3A_32, %dma_start3A_33] : memref<3x128x64xf32, #tpu.memory_space<vmem>> -> memref<1x128x64xf32, #tpu.memory_space<vmem>>
    %dma_start3A_35 = tpu.memref_squeeze %dma_start3A_34 : memref<1x128x64xf32, #tpu.memory_space<vmem>> -> memref<128x64xf32, #tpu.memory_space<vmem>>
    %dma_start3A_36 = arith.constant 0 : i32
    %dma_start3A_37 = arith.constant 0 : i32
    %dma_start3A_38 = tpu.memref_slice %arg3[%shift_right_logical3A_5, %and3A_6, %dma_start3A_36, %dma_start3A_37] : memref<8x128x128x64xf32, #tpu.memory_space<hbm>> -> memref<1x1x128x64xf32, #tpu.memory_space<hbm>>
    %dma_start3A_39 = tpu.memref_squeeze %dma_start3A_38 : memref<1x1x128x64xf32, #tpu.memory_space<hbm>> -> memref<128x64xf32, #tpu.memory_space<hbm>>
    tpu.enqueue_dma source(%dma_start3A_39 : memref<128x64xf32, #tpu.memory_space<hbm>>) target(%dma_start3A_35 : memref<128x64xf32, #tpu.memory_space<vmem>>) target_semaphore(%arg11 : memref<!tpu.dma_semaphore, #tpu.memory_space<semaphore_mem>>)
    %add3A_40 = arith.constant 1 : i32
    %add3A_41 = arith.addi %mul3A_2, %add3A_40 : i32
    %shift_right_logical3A_42 = arith.constant 7 : i32
    %shift_right_logical3A_43 = arith.shrui %add3A_41, %shift_right_logical3A_42 : i32
    %and3A_44 = arith.constant 127 : i32
    %and3A_45 = arith.andi %add3A_41, %and3A_44 : i32
    %dma_start3A_46 = arith.constant 1 : i32
    %dma_start3A_47 = arith.constant 0 : i32
    %dma_start3A_48 = arith.constant 0 : i32
    %dma_start3A_49 = tpu.memref_slice %arg5[%dma_start3A_46, %dma_start3A_47, %dma_start3A_48] : memref<3x128x64xf32, #tpu.memory_space<vmem>> -> memref<1x128x64xf32, #tpu.memory_space<vmem>>
    %dma_start3A_50 = tpu.memref_squeeze %dma_start3A_49 : memref<1x128x64xf32, #tpu.memory_space<vmem>> -> memref<128x64xf32, #tpu.memory_space<vmem>>
    %dma_start3A_51 = arith.constant 0 : i32
    %dma_start3A_52 = arith.constant 0 : i32
    %dma_start3A_53 = tpu.memref_slice %arg2[%shift_right_logical3A_43, %and3A_45, %dma_start3A_51, %dma_start3A_52] : memref<8x128x128x64xf32, #tpu.memory_space<hbm>> -> memref<1x1x128x64xf32, #tpu.memory_space<hbm>>
    %dma_start3A_54 = tpu.memref_squeeze %dma_start3A_53 : memref<1x1x128x64xf32, #tpu.memory_space<hbm>> -> memref<128x64xf32, #tpu.memory_space<hbm>>
    %dma_start3A_55 = arith.constant 0 : i32
    %dma_start3A_56 = arith.constant 0 : i32
    %dma_start3A_57 = tpu.memref_slice %arg5[%dma_start3A_46, %dma_start3A_55, %dma_start3A_56] : memref<3x128x64xf32, #tpu.memory_space<vmem>> -> memref<1x128x64xf32, #tpu.memory_space<vmem>>
    %dma_start3A_58 = tpu.memref_squeeze %dma_start3A_57 : memref<1x128x64xf32, #tpu.memory_space<vmem>> -> memref<128x64xf32, #tpu.memory_space<vmem>>
    %dma_start3A_59 = arith.constant 0 : i32
    %dma_start3A_60 = arith.constant 0 : i32
    %dma_start3A_61 = tpu.memref_slice %arg2[%shift_right_logical3A_43, %and3A_45, %dma_start3A_59, %dma_start3A_60] : memref<8x128x128x64xf32, #tpu.memory_space<hbm>> -> memref<1x1x128x64xf32, #tpu.memory_space<hbm>>
    %dma_start3A_62 = tpu.memref_squeeze %dma_start3A_61 : memref<1x1x128x64xf32, #tpu.memory_space<hbm>> -> memref<128x64xf32, #tpu.memory_space<hbm>>
    tpu.enqueue_dma source(%dma_start3A_62 : memref<128x64xf32, #tpu.memory_space<hbm>>) target(%dma_start3A_58 : memref<128x64xf32, #tpu.memory_space<vmem>>) target_semaphore(%arg9 : memref<!tpu.dma_semaphore, #tpu.memory_space<semaphore_mem>>)
    %dma_start3A_63 = arith.constant 1 : i32
    %dma_start3A_64 = arith.constant 0 : i32
    %dma_start3A_65 = arith.constant 0 : i32
    %dma_start3A_66 = tpu.memref_slice %arg6[%dma_start3A_63, %dma_start3A_64, %dma_start3A_65] : memref<3x128x64xf32, #tpu.memory_space<vmem>> -> memref<1x128x64xf32, #tpu.memory_space<vmem>>
    %dma_start3A_67 = tpu.memref_squeeze %dma_start3A_66 : memref<1x128x64xf32, #tpu.memory_space<vmem>> -> memref<128x64xf32, #tpu.memory_space<vmem>>
    %dma_start3A_68 = arith.constant 0 : i32
    %dma_start3A_69 = arith.constant 0 : i32
    %dma_start3A_70 = tpu.memref_slice %arg3[%shift_right_logical3A_43, %and3A_45, %dma_start3A_68, %dma_start3A_69] : memref<8x128x128x64xf32, #tpu.memory_space<hbm>> -> memref<1x1x128x64xf32, #tpu.memory_space<hbm>>
    %dma_start3A_71 = tpu.memref_squeeze %dma_start3A_70 : memref<1x1x128x64xf32, #tpu.memory_space<hbm>> -> memref<128x64xf32, #tpu.memory_space<hbm>>
    %dma_start3A_72 = arith.constant 0 : i32
    %dma_start3A_73 = arith.constant 0 : i32
    %dma_start3A_74 = tpu.memref_slice %arg6[%dma_start3A_63, %dma_start3A_72, %dma_start3A_73] : memref<3x128x64xf32, #tpu.memory_space<vmem>> -> memref<1x128x64xf32, #tpu.memory_space<vmem>>
    %dma_start3A_75 = tpu.memref_squeeze %dma_start3A_74 : memref<1x128x64xf32, #tpu.memory_space<vmem>> -> memref<128x64xf32, #tpu.memory_space<vmem>>
    %dma_start3A_76 = arith.constant 0 : i32
    %dma_start3A_77 = arith.constant 0 : i32
    %dma_start3A_78 = tpu.memref_slice %arg3[%shift_right_logical3A_43, %and3A_45, %dma_start3A_76, %dma_start3A_77] : memref<8x128x128x64xf32, #tpu.memory_space<hbm>> -> memref<1x1x128x64xf32, #tpu.memory_space<hbm>>
    %dma_start3A_79 = tpu.memref_squeeze %dma_start3A_78 : memref<1x1x128x64xf32, #tpu.memory_space<hbm>> -> memref<128x64xf32, #tpu.memory_space<hbm>>
    tpu.enqueue_dma source(%dma_start3A_79 : memref<128x64xf32, #tpu.memory_space<hbm>>) target(%dma_start3A_75 : memref<128x64xf32, #tpu.memory_space<vmem>>) target_semaphore(%arg12 : memref<!tpu.dma_semaphore, #tpu.memory_space<semaphore_mem>>)
    %scan3A = arith.constant 0 : i32
    %scan3A_80 = arith.constant 0 : i32
    %scan3A_81 = arith.constant 2048 : i32
    %scan3A_82 = arith.addi %scan3A_80, %scan3A_81 : i32
    %scan3A_83 = arith.constant 1 : i32
    scf.for %scan3A_91 = %scan3A_80 to %scan3A_82 step %scan3A_83  : i32 {
      %broadcast_in_dim3A_92 = arith.constant 0 : i32
      %broadcast_in_dim3A_93 = vector.broadcast %broadcast_in_dim3A_92 : i32 to vector<16xi32>
      %mul3A_94 = arith.constant 16 : i32
      %mul3A_95 = arith.muli %scan3A_91, %mul3A_94 : i32
      %swap3A = arith.index_cast %mul3A_95 : i32 to index
      %swap3A_96 = tpu.vector_load %arg7[%swap3A] {strides = array<i32>} : memref<32768xi32, #tpu.memory_space<vmem>>, vector<16xi32>,
      tpu.vector_store %arg7[%swap3A], %broadcast_in_dim3A_93 {strides = array<i32>} : memref<32768xi32, #tpu.memory_space<vmem>>, vector<16xi32>,
    }
    %scan3A_84 = arith.constant 2048 : i32
    %broadcast_in_dim3A = arith.constant 1 : i32
    %broadcast_in_dim3A_85 = vector.broadcast %broadcast_in_dim3A : i32 to vector<16xi32>
    %scan3A_86 = arith.constant 0 : i32
    %scan3A_87 = arith.constant 11 : i32
    %scan3A_88 = arith.addi %scan3A_86, %scan3A_87 : i32
    %scan3A_89 = arith.constant 1 : i32
    scf.for %scan3A_91 = %scan3A_86 to %scan3A_88 step %scan3A_89  : i32 {
      %mul3A_92 = arith.constant 3 : i32
      %mul3A_93 = arith.muli %scan3A_91, %mul3A_92 : i32
      %add3A_94 = arith.constant 0 : i32
      %add3A_95 = arith.addi %add3A_94, %mul3A_93 : i32
      %add3A_96 = arith.constant 0 : i32
      %add3A_97 = arith.addi %add3A_95, %add3A_96 : i32
      %lt3A = arith.constant 32 : i32
      %lt3A_98 = arith.cmpi slt, %add3A_97, %lt3A : i32
      %convert_element_type3A = arith.extui %lt3A_98 : i1 to i32
      %cond3A = arith.constant 0 : i32
      %cond3A_99 = arith.cmpi ne, %convert_element_type3A, %cond3A : i32
      scf.if %cond3A_99 {
        %add3A_114 = arith.constant 2 : i32
        %add3A_115 = arith.addi %add3A_97, %add3A_114 : i32
        %lt3A_116 = arith.constant 32 : i32
        %lt3A_117 = arith.cmpi slt, %add3A_115, %lt3A_116 : i32
        %convert_element_type3A_118 = arith.extui %lt3A_117 : i1 to i32
        %cond3A_119 = arith.constant 0 : i32
        %cond3A_120 = arith.cmpi ne, %convert_element_type3A_118, %cond3A_119 : i32
        scf.if %cond3A_120 {
          %add3A_165 = arith.addi %mul3A_2, %add3A_115 : i32
          %shift_right_logical3A_166 = arith.constant 7 : i32
          %shift_right_logical3A_167 = arith.shrui %add3A_165, %shift_right_logical3A_166 : i32
          %and3A_168 = arith.constant 127 : i32
          %and3A_169 = arith.andi %add3A_165, %and3A_168 : i32
          %dma_start3A_170 = arith.constant 2 : i32
          %dma_start3A_171 = arith.constant 0 : i32
          %dma_start3A_172 = arith.constant 0 : i32
          %dma_start3A_173 = tpu.memref_slice %arg5[%dma_start3A_170, %dma_start3A_171, %dma_start3A_172] : memref<3x128x64xf32, #tpu.memory_space<vmem>> -> memref<1x128x64xf32, #tpu.memory_space<vmem>>
          %dma_start3A_174 = tpu.memref_squeeze %dma_start3A_173 : memref<1x128x64xf32, #tpu.memory_space<vmem>> -> memref<128x64xf32, #tpu.memory_space<vmem>>
          %dma_start3A_175 = arith.constant 0 : i32
          %dma_start3A_176 = arith.constant 0 : i32
          %dma_start3A_177 = tpu.memref_slice %arg2[%shift_right_logical3A_167, %and3A_169, %dma_start3A_175, %dma_start3A_176] : memref<8x128x128x64xf32, #tpu.memory_space<hbm>> -> memref<1x1x128x64xf32, #tpu.memory_space<hbm>>
          %dma_start3A_178 = tpu.memref_squeeze %dma_start3A_177 : memref<1x1x128x64xf32, #tpu.memory_space<hbm>> -> memref<128x64xf32, #tpu.memory_space<hbm>>
          %dma_start3A_179 = arith.constant 0 : i32
          %dma_start3A_180 = arith.constant 0 : i32
          %dma_start3A_181 = tpu.memref_slice %arg5[%dma_start3A_170, %dma_start3A_179, %dma_start3A_180] : memref<3x128x64xf32, #tpu.memory_space<vmem>> -> memref<1x128x64xf32, #tpu.memory_space<vmem>>
          %dma_start3A_182 = tpu.memref_squeeze %dma_start3A_181 : memref<1x128x64xf32, #tpu.memory_space<vmem>> -> memref<128x64xf32, #tpu.memory_space<vmem>>
          %dma_start3A_183 = arith.constant 0 : i32
          %dma_start3A_184 = arith.constant 0 : i32
          %dma_start3A_185 = tpu.memref_slice %arg2[%shift_right_logical3A_167, %and3A_169, %dma_start3A_183, %dma_start3A_184] : memref<8x128x128x64xf32, #tpu.memory_space<hbm>> -> memref<1x1x128x64xf32, #tpu.memory_space<hbm>>
          %dma_start3A_186 = tpu.memref_squeeze %dma_start3A_185 : memref<1x1x128x64xf32, #tpu.memory_space<hbm>> -> memref<128x64xf32, #tpu.memory_space<hbm>>
          tpu.enqueue_dma source(%dma_start3A_186 : memref<128x64xf32, #tpu.memory_space<hbm>>) target(%dma_start3A_182 : memref<128x64xf32, #tpu.memory_space<vmem>>) target_semaphore(%arg10 : memref<!tpu.dma_semaphore, #tpu.memory_space<semaphore_mem>>)
          %dma_start3A_187 = arith.constant 2 : i32
          %dma_start3A_188 = arith.constant 0 : i32
          %dma_start3A_189 = arith.constant 0 : i32
          %dma_start3A_190 = tpu.memref_slice %arg6[%dma_start3A_187, %dma_start3A_188, %dma_start3A_189] : memref<3x128x64xf32, #tpu.memory_space<vmem>> -> memref<1x128x64xf32, #tpu.memory_space<vmem>>
          %dma_start3A_191 = tpu.memref_squeeze %dma_start3A_190 : memref<1x128x64xf32, #tpu.memory_space<vmem>> -> memref<128x64xf32, #tpu.memory_space<vmem>>
          %dma_start3A_192 = arith.constant 0 : i32
          %dma_start3A_193 = arith.constant 0 : i32
          %dma_start3A_194 = tpu.memref_slice %arg3[%shift_right_logical3A_167, %and3A_169, %dma_start3A_192, %dma_start3A_193] : memref<8x128x128x64xf32, #tpu.memory_space<hbm>> -> memref<1x1x128x64xf32, #tpu.memory_space<hbm>>
          %dma_start3A_195 = tpu.memref_squeeze %dma_start3A_194 : memref<1x1x128x64xf32, #tpu.memory_space<hbm>> -> memref<128x64xf32, #tpu.memory_space<hbm>>
          %dma_start3A_196 = arith.constant 0 : i32
          %dma_start3A_197 = arith.constant 0 : i32
          %dma_start3A_198 = tpu.memref_slice %arg6[%dma_start3A_187, %dma_start3A_196, %dma_start3A_197] : memref<3x128x64xf32, #tpu.memory_space<vmem>> -> memref<1x128x64xf32, #tpu.memory_space<vmem>>
          %dma_start3A_199 = tpu.memref_squeeze %dma_start3A_198 : memref<1x128x64xf32, #tpu.memory_space<vmem>> -> memref<128x64xf32, #tpu.memory_space<vmem>>
          %dma_start3A_200 = arith.constant 0 : i32
          %dma_start3A_201 = arith.constant 0 : i32
          %dma_start3A_202 = tpu.memref_slice %arg3[%shift_right_logical3A_167, %and3A_169, %dma_start3A_200, %dma_start3A_201] : memref<8x128x128x64xf32, #tpu.memory_space<hbm>> -> memref<1x1x128x64xf32, #tpu.memory_space<hbm>>
          %dma_start3A_203 = tpu.memref_squeeze %dma_start3A_202 : memref<1x1x128x64xf32, #tpu.memory_space<hbm>> -> memref<128x64xf32, #tpu.memory_space<hbm>>
          tpu.enqueue_dma source(%dma_start3A_203 : memref<128x64xf32, #tpu.memory_space<hbm>>) target(%dma_start3A_199 : memref<128x64xf32, #tpu.memory_space<vmem>>) target_semaphore(%arg13 : memref<!tpu.dma_semaphore, #tpu.memory_space<semaphore_mem>>)
        } else {
        }
        %add3A_121 = arith.addi %mul3A_2, %add3A_97 : i32
        %shift_right_logical3A_122 = arith.constant 7 : i32
        %shift_right_logical3A_123 = arith.shrui %add3A_121, %shift_right_logical3A_122 : i32
        %and3A_124 = arith.constant 127 : i32
        %and3A_125 = arith.andi %add3A_121, %and3A_124 : i32
        %dma_wait3A = arith.constant 0 : i32
        %dma_wait3A_126 = arith.constant 0 : i32
        %dma_wait3A_127 = arith.constant 0 : i32
        %dma_wait3A_128 = tpu.memref_slice %arg5[%dma_wait3A, %dma_wait3A_126, %dma_wait3A_127] : memref<3x128x64xf32, #tpu.memory_space<vmem>> -> memref<1x128x64xf32, #tpu.memory_space<vmem>>
        %dma_wait3A_129 = tpu.memref_squeeze %dma_wait3A_128 : memref<1x128x64xf32, #tpu.memory_space<vmem>> -> memref<128x64xf32, #tpu.memory_space<vmem>>
        %dma_wait3A_130 = arith.constant 0 : i32
        %dma_wait3A_131 = arith.constant 0 : i32
        %dma_wait3A_132 = tpu.memref_slice %arg2[%shift_right_logical3A_123, %and3A_125, %dma_wait3A_130, %dma_wait3A_131] : memref<8x128x128x64xf32, #tpu.memory_space<hbm>> -> memref<1x1x128x64xf32, #tpu.memory_space<hbm>>
        %dma_wait3A_133 = tpu.memref_squeeze %dma_wait3A_132 : memref<1x1x128x64xf32, #tpu.memory_space<hbm>> -> memref<128x64xf32, #tpu.memory_space<hbm>>
        %dma_wait3A_134 = arith.constant 0 : i32
        %dma_wait3A_135 = arith.constant 0 : i32
        %dma_wait3A_136 = tpu.memref_slice %arg5[%dma_wait3A, %dma_wait3A_134, %dma_wait3A_135] : memref<3x128x64xf32, #tpu.memory_space<vmem>> -> memref<1x128x64xf32, #tpu.memory_space<vmem>>
        %dma_wait3A_137 = tpu.memref_squeeze %dma_wait3A_136 : memref<1x128x64xf32, #tpu.memory_space<vmem>> -> memref<128x64xf32, #tpu.memory_space<vmem>>
        %dma_wait3A_138 = arith.constant 0 : i32
        %dma_wait3A_139 = arith.constant 0 : i32
        %dma_wait3A_140 = tpu.memref_slice %arg2[%shift_right_logical3A_123, %and3A_125, %dma_wait3A_138, %dma_wait3A_139] : memref<8x128x128x64xf32, #tpu.memory_space<hbm>> -> memref<1x1x128x64xf32, #tpu.memory_space<hbm>>
        %dma_wait3A_141 = tpu.memref_squeeze %dma_wait3A_140 : memref<1x1x128x64xf32, #tpu.memory_space<hbm>> -> memref<128x64xf32, #tpu.memory_space<hbm>>
        tpu.wait_dma2 semaphore(%arg8 : memref<!tpu.dma_semaphore, #tpu.memory_space<semaphore_mem>>) src(%dma_wait3A_141 : memref<128x64xf32, #tpu.memory_space<hbm>>) dst(%dma_wait3A_137 : memref<128x64xf32, #tpu.memory_space<vmem>>)
        %dma_wait3A_142 = arith.constant 0 : i32
        %dma_wait3A_143 = arith.constant 0 : i32
        %dma_wait3A_144 = arith.constant 0 : i32
        %dma_wait3A_145 = tpu.memref_slice %arg6[%dma_wait3A_142, %dma_wait3A_143, %dma_wait3A_144] : memref<3x128x64xf32, #tpu.memory_space<vmem>> -> memref<1x128x64xf32, #tpu.memory_space<vmem>>
        %dma_wait3A_146 = tpu.memref_squeeze %dma_wait3A_145 : memref<1x128x64xf32, #tpu.memory_space<vmem>> -> memref<128x64xf32, #tpu.memory_space<vmem>>
        %dma_wait3A_147 = arith.constant 0 : i32
        %dma_wait3A_148 = arith.constant 0 : i32
        %dma_wait3A_149 = tpu.memref_slice %arg3[%shift_right_logical3A_123, %and3A_125, %dma_wait3A_147, %dma_wait3A_148] : memref<8x128x128x64xf32, #tpu.memory_space<hbm>> -> memref<1x1x128x64xf32, #tpu.memory_space<hbm>>
        %dma_wait3A_150 = tpu.memref_squeeze %dma_wait3A_149 : memref<1x1x128x64xf32, #tpu.memory_space<hbm>> -> memref<128x64xf32, #tpu.memory_space<hbm>>
        %dma_wait3A_151 = arith.constant 0 : i32
        %dma_wait3A_152 = arith.constant 0 : i32
        %dma_wait3A_153 = tpu.memref_slice %arg6[%dma_wait3A_142, %dma_wait3A_151, %dma_wait3A_152] : memref<3x128x64xf32, #tpu.memory_space<vmem>> -> memref<1x128x64xf32, #tpu.memory_space<vmem>>
        %dma_wait3A_154 = tpu.memref_squeeze %dma_wait3A_153 : memref<1x128x64xf32, #tpu.memory_space<vmem>> -> memref<128x64xf32, #tpu.memory_space<vmem>>
        %dma_wait3A_155 = arith.constant 0 : i32
        %dma_wait3A_156 = arith.constant 0 : i32
        %dma_wait3A_157 = tpu.memref_slice %arg3[%shift_right_logical3A_123, %and3A_125, %dma_wait3A_155, %dma_wait3A_156] : memref<8x128x128x64xf32, #tpu.memory_space<hbm>> -> memref<1x1x128x64xf32, #tpu.memory_space<hbm>>
        %dma_wait3A_158 = tpu.memref_squeeze %dma_wait3A_157 : memref<1x1x128x64xf32, #tpu.memory_space<hbm>> -> memref<128x64xf32, #tpu.memory_space<hbm>>
        tpu.wait_dma2 semaphore(%arg11 : memref<!tpu.dma_semaphore, #tpu.memory_space<semaphore_mem>>) src(%dma_wait3A_158 : memref<128x64xf32, #tpu.memory_space<hbm>>) dst(%dma_wait3A_154 : memref<128x64xf32, #tpu.memory_space<vmem>>)
        %scan3A_159 = arith.constant 0 : i32
        %scan3A_160 = arith.constant 0 : i32
        %scan3A_161 = arith.constant 64 : i32
        %scan3A_162 = arith.addi %scan3A_160, %scan3A_161 : i32
        %scan3A_163 = arith.constant 1 : i32
        scf.for %scan3A_165 = %scan3A_160 to %scan3A_162 step %scan3A_163  : i32 {
          %mul3A_166 = arith.constant 2 : i32
          %mul3A_167 = arith.muli %mul3A_166, %scan3A_165 : i32
          %add3A_168 = arith.constant 0 : i32
          %add3A_169 = arith.addi %mul3A_167, %add3A_168 : i32
          %mul3A_170 = arith.constant 2 : i32
          %mul3A_171 = arith.muli %mul3A_170, %scan3A_165 : i32
          %add3A_172 = arith.constant 0 : i32
          %add3A_173 = arith.addi %mul3A_171, %add3A_172 : i32
          %mul3A_174 = arith.constant 2 : i32
          %mul3A_175 = arith.muli %mul3A_174, %scan3A_165 : i32
          %add3A_176 = arith.constant 0 : i32
          %add3A_177 = arith.addi %mul3A_175, %add3A_176 : i32
          %mul3A_178 = arith.constant 2 : i32
          %mul3A_179 = arith.muli %mul3A_178, %scan3A_165 : i32
          %add3A_180 = arith.constant 0 : i32
          %add3A_181 = arith.addi %mul3A_179, %add3A_180 : i32
          %mul3A_182 = arith.constant 2 : i32
          %mul3A_183 = arith.muli %mul3A_182, %scan3A_165 : i32
          %add3A_184 = arith.constant 1 : i32
          %add3A_185 = arith.addi %mul3A_183, %add3A_184 : i32
          %mul3A_186 = arith.constant 2 : i32
          %mul3A_187 = arith.muli %mul3A_186, %scan3A_165 : i32
          %add3A_188 = arith.constant 1 : i32
          %add3A_189 = arith.addi %mul3A_187, %add3A_188 : i32
          %mul3A_190 = arith.constant 2 : i32
          %mul3A_191 = arith.muli %mul3A_190, %scan3A_165 : i32
          %add3A_192 = arith.constant 1 : i32
          %add3A_193 = arith.addi %mul3A_191, %add3A_192 : i32
          %mul3A_194 = arith.constant 2 : i32
          %mul3A_195 = arith.muli %mul3A_194, %scan3A_165 : i32
          %add3A_196 = arith.constant 1 : i32
          %add3A_197 = arith.addi %mul3A_195, %add3A_196 : i32
          %get3A = arith.constant 0 : i32
          %get3A_198 = arith.index_cast %get3A : i32 to index
          %get3A_199 = arith.index_cast %add3A_169 : i32 to index
          %get3A_200 = arith.constant 0 : index
          %get3A_201 = tpu.vector_load %arg5[%get3A_198, %get3A_199, %get3A_200] {strides = array<i32>} : memref<3x128x64xf32, #tpu.memory_space<vmem>>, vector<16xf32>,
          %get3A_202 = arith.constant 0 : i32
          %get3A_203 = arith.index_cast %get3A_202 : i32 to index
          %get3A_204 = arith.index_cast %add3A_173 : i32 to index
          %get3A_205 = arith.constant 16 : index
          %get3A_206 = tpu.vector_load %arg5[%get3A_203, %get3A_204, %get3A_205] {strides = array<i32>} : memref<3x128x64xf32, #tpu.memory_space<vmem>>, vector<16xf32>,
          %get3A_207 = arith.constant 0 : i32
          %get3A_208 = arith.index_cast %get3A_207 : i32 to index
          %get3A_209 = arith.index_cast %add3A_177 : i32 to index
          %get3A_210 = arith.constant 32 : index
          %get3A_211 = tpu.vector_load %arg5[%get3A_208, %get3A_209, %get3A_210] {strides = array<i32>} : memref<3x128x64xf32, #tpu.memory_space<vmem>>, vector<16xf32>,
          %get3A_212 = arith.constant 0 : i32
          %get3A_213 = arith.index_cast %get3A_212 : i32 to index
          %get3A_214 = arith.index_cast %add3A_181 : i32 to index
          %get3A_215 = arith.constant 48 : index
          %get3A_216 = tpu.vector_load %arg5[%get3A_213, %get3A_214, %get3A_215] {strides = array<i32>} : memref<3x128x64xf32, #tpu.memory_space<vmem>>, vector<16xf32>,
          %get3A_217 = arith.constant 0 : i32
          %get3A_218 = arith.index_cast %get3A_217 : i32 to index
          %get3A_219 = arith.index_cast %add3A_185 : i32 to index
          %get3A_220 = arith.constant 0 : index
          %get3A_221 = tpu.vector_load %arg5[%get3A_218, %get3A_219, %get3A_220] {strides = array<i32>} : memref<3x128x64xf32, #tpu.memory_space<vmem>>, vector<16xf32>,
          %get3A_222 = arith.constant 0 : i32
          %get3A_223 = arith.index_cast %get3A_222 : i32 to index
          %get3A_224 = arith.index_cast %add3A_189 : i32 to index
          %get3A_225 = arith.constant 16 : index
          %get3A_226 = tpu.vector_load %arg5[%get3A_223, %get3A_224, %get3A_225] {strides = array<i32>} : memref<3x128x64xf32, #tpu.memory_space<vmem>>, vector<16xf32>,
          %get3A_227 = arith.constant 0 : i32
          %get3A_228 = arith.index_cast %get3A_227 : i32 to index
          %get3A_229 = arith.index_cast %add3A_193 : i32 to index
          %get3A_230 = arith.constant 32 : index
          %get3A_231 = tpu.vector_load %arg5[%get3A_228, %get3A_229, %get3A_230] {strides = array<i32>} : memref<3x128x64xf32, #tpu.memory_space<vmem>>, vector<16xf32>,
          %get3A_232 = arith.constant 0 : i32
          %get3A_233 = arith.index_cast %get3A_232 : i32 to index
          %get3A_234 = arith.index_cast %add3A_197 : i32 to index
          %get3A_235 = arith.constant 48 : index
          %get3A_236 = tpu.vector_load %arg5[%get3A_233, %get3A_234, %get3A_235] {strides = array<i32>} : memref<3x128x64xf32, #tpu.memory_space<vmem>>, vector<16xf32>,
          %get3A_237 = arith.constant 0 : i32
          %get3A_238 = arith.index_cast %get3A_237 : i32 to index
          %get3A_239 = arith.index_cast %add3A_169 : i32 to index
          %get3A_240 = arith.constant 0 : index
          %get3A_241 = tpu.vector_load %arg6[%get3A_238, %get3A_239, %get3A_240] {strides = array<i32>} : memref<3x128x64xf32, #tpu.memory_space<vmem>>, vector<16xf32>,
          %get3A_242 = arith.constant 0 : i32
          %get3A_243 = arith.index_cast %get3A_242 : i32 to index
          %get3A_244 = arith.index_cast %add3A_173 : i32 to index
          %get3A_245 = arith.constant 16 : index
          %get3A_246 = tpu.vector_load %arg6[%get3A_243, %get3A_244, %get3A_245] {strides = array<i32>} : memref<3x128x64xf32, #tpu.memory_space<vmem>>, vector<16xf32>,
          %get3A_247 = arith.constant 0 : i32
          %get3A_248 = arith.index_cast %get3A_247 : i32 to index
          %get3A_249 = arith.index_cast %add3A_177 : i32 to index
          %get3A_250 = arith.constant 32 : index
          %get3A_251 = tpu.vector_load %arg6[%get3A_248, %get3A_249, %get3A_250] {strides = array<i32>} : memref<3x128x64xf32, #tpu.memory_space<vmem>>, vector<16xf32>,
          %get3A_252 = arith.constant 0 : i32
          %get3A_253 = arith.index_cast %get3A_252 : i32 to index
          %get3A_254 = arith.index_cast %add3A_181 : i32 to index
          %get3A_255 = arith.constant 48 : index
          %get3A_256 = tpu.vector_load %arg6[%get3A_253, %get3A_254, %get3A_255] {strides = array<i32>} : memref<3x128x64xf32, #tpu.memory_space<vmem>>, vector<16xf32>,
          %get3A_257 = arith.constant 0 : i32
          %get3A_258 = arith.index_cast %get3A_257 : i32 to index
          %get3A_259 = arith.index_cast %add3A_185 : i32 to index
          %get3A_260 = arith.constant 0 : index
          %get3A_261 = tpu.vector_load %arg6[%get3A_258, %get3A_259, %get3A_260] {strides = array<i32>} : memref<3x128x64xf32, #tpu.memory_space<vmem>>, vector<16xf32>,
          %get3A_262 = arith.constant 0 : i32
          %get3A_263 = arith.index_cast %get3A_262 : i32 to index
          %get3A_264 = arith.index_cast %add3A_189 : i32 to index
          %get3A_265 = arith.constant 16 : index
          %get3A_266 = tpu.vector_load %arg6[%get3A_263, %get3A_264, %get3A_265] {strides = array<i32>} : memref<3x128x64xf32, #tpu.memory_space<vmem>>, vector<16xf32>,
          %get3A_267 = arith.constant 0 : i32
          %get3A_268 = arith.index_cast %get3A_267 : i32 to index
          %get3A_269 = arith.index_cast %add3A_193 : i32 to index
          %get3A_270 = arith.constant 32 : index
          %get3A_271 = tpu.vector_load %arg6[%get3A_268, %get3A_269, %get3A_270] {strides = array<i32>} : memref<3x128x64xf32, #tpu.memory_space<vmem>>, vector<16xf32>,
          %get3A_272 = arith.constant 0 : i32
          %get3A_273 = arith.index_cast %get3A_272 : i32 to index
          %get3A_274 = arith.index_cast %add3A_197 : i32 to index
          %get3A_275 = arith.constant 48 : index
          %get3A_276 = tpu.vector_load %arg6[%get3A_273, %get3A_274, %get3A_275] {strides = array<i32>} : memref<3x128x64xf32, #tpu.memory_space<vmem>>, vector<16xf32>,
          %sub3A = arith.subf %get3A_201, %get3A_241 : vector<16xf32>
          %abs3A = math.absf %sub3A : vector<16xf32>
          %sub3A_277 = arith.subf %get3A_206, %get3A_246 : vector<16xf32>
          %abs3A_278 = math.absf %sub3A_277 : vector<16xf32>
          %sub3A_279 = arith.subf %get3A_211, %get3A_251 : vector<16xf32>
          %abs3A_280 = math.absf %sub3A_279 : vector<16xf32>
          %sub3A_281 = arith.subf %get3A_216, %get3A_256 : vector<16xf32>
          %abs3A_282 = math.absf %sub3A_281 : vector<16xf32>
          %sub3A_283 = arith.subf %get3A_221, %get3A_261 : vector<16xf32>
          %abs3A_284 = math.absf %sub3A_283 : vector<16xf32>
          %sub3A_285 = arith.subf %get3A_226, %get3A_266 : vector<16xf32>
          %abs3A_286 = math.absf %sub3A_285 : vector<16xf32>
          %sub3A_287 = arith.subf %get3A_231, %get3A_271 : vector<16xf32>
          %abs3A_288 = math.absf %sub3A_287 : vector<16xf32>
          %sub3A_289 = arith.subf %get3A_236, %get3A_276 : vector<16xf32>
          %abs3A_290 = math.absf %sub3A_289 : vector<16xf32>
          %bitcast_convert_type3A = tpu.bitcast %abs3A : vector<16xf32> -> vector<16xi32>
          %shift_right_logical3A_291 = arith.constant 16 : i32
          %shift_right_logical3A_292 = vector.broadcast %shift_right_logical3A_291 : i32 to vector<16xi32>
          %shift_right_logical3A_293 = arith.shrui %bitcast_convert_type3A, %shift_right_logical3A_292 : vector<16xi32>
          %bitcast_convert_type3A_294 = tpu.bitcast %abs3A_278 : vector<16xf32> -> vector<16xi32>
          %shift_right_logical3A_295 = arith.constant 16 : i32
          %shift_right_logical3A_296 = vector.broadcast %shift_right_logical3A_295 : i32 to vector<16xi32>
          %shift_right_logical3A_297 = arith.shrui %bitcast_convert_type3A_294, %shift_right_logical3A_296 : vector<16xi32>
          %bitcast_convert_type3A_298 = tpu.bitcast %abs3A_280 : vector<16xf32> -> vector<16xi32>
          %shift_right_logical3A_299 = arith.constant 16 : i32
          %shift_right_logical3A_300 = vector.broadcast %shift_right_logical3A_299 : i32 to vector<16xi32>
          %shift_right_logical3A_301 = arith.shrui %bitcast_convert_type3A_298, %shift_right_logical3A_300 : vector<16xi32>
          %bitcast_convert_type3A_302 = tpu.bitcast %abs3A_282 : vector<16xf32> -> vector<16xi32>
          %shift_right_logical3A_303 = arith.constant 16 : i32
          %shift_right_logical3A_304 = vector.broadcast %shift_right_logical3A_303 : i32 to vector<16xi32>
          %shift_right_logical3A_305 = arith.shrui %bitcast_convert_type3A_302, %shift_right_logical3A_304 : vector<16xi32>
          %bitcast_convert_type3A_306 = tpu.bitcast %abs3A_284 : vector<16xf32> -> vector<16xi32>
          %shift_right_logical3A_307 = arith.constant 16 : i32
          %shift_right_logical3A_308 = vector.broadcast %shift_right_logical3A_307 : i32 to vector<16xi32>
          %shift_right_logical3A_309 = arith.shrui %bitcast_convert_type3A_306, %shift_right_logical3A_308 : vector<16xi32>
          %bitcast_convert_type3A_310 = tpu.bitcast %abs3A_286 : vector<16xf32> -> vector<16xi32>
          %shift_right_logical3A_311 = arith.constant 16 : i32
          %shift_right_logical3A_312 = vector.broadcast %shift_right_logical3A_311 : i32 to vector<16xi32>
          %shift_right_logical3A_313 = arith.shrui %bitcast_convert_type3A_310, %shift_right_logical3A_312 : vector<16xi32>
          %bitcast_convert_type3A_314 = tpu.bitcast %abs3A_288 : vector<16xf32> -> vector<16xi32>
          %shift_right_logical3A_315 = arith.constant 16 : i32
          %shift_right_logical3A_316 = vector.broadcast %shift_right_logical3A_315 : i32 to vector<16xi32>
          %shift_right_logical3A_317 = arith.shrui %bitcast_convert_type3A_314, %shift_right_logical3A_316 : vector<16xi32>
          %bitcast_convert_type3A_318 = tpu.bitcast %abs3A_290 : vector<16xf32> -> vector<16xi32>
          %shift_right_logical3A_319 = arith.constant 16 : i32
          %shift_right_logical3A_320 = vector.broadcast %shift_right_logical3A_319 : i32 to vector<16xi32>
          %shift_right_logical3A_321 = arith.shrui %bitcast_convert_type3A_318, %shift_right_logical3A_320 : vector<16xi32>
          tpu.vector_store_idx %arg7[%shift_right_logical3A_293], %broadcast_in_dim3A_85 {add = true} : memref<32768xi32, #tpu.memory_space<vmem>>[vector<16xi32>], vector<16xi32>,
          tpu.vector_store_idx %arg7[%shift_right_logical3A_297], %broadcast_in_dim3A_85 {add = true} : memref<32768xi32, #tpu.memory_space<vmem>>[vector<16xi32>], vector<16xi32>,
          tpu.vector_store_idx %arg7[%shift_right_logical3A_301], %broadcast_in_dim3A_85 {add = true} : memref<32768xi32, #tpu.memory_space<vmem>>[vector<16xi32>], vector<16xi32>,
          tpu.vector_store_idx %arg7[%shift_right_logical3A_305], %broadcast_in_dim3A_85 {add = true} : memref<32768xi32, #tpu.memory_space<vmem>>[vector<16xi32>], vector<16xi32>,
          tpu.vector_store_idx %arg7[%shift_right_logical3A_309], %broadcast_in_dim3A_85 {add = true} : memref<32768xi32, #tpu.memory_space<vmem>>[vector<16xi32>], vector<16xi32>,
          tpu.vector_store_idx %arg7[%shift_right_logical3A_313], %broadcast_in_dim3A_85 {add = true} : memref<32768xi32, #tpu.memory_space<vmem>>[vector<16xi32>], vector<16xi32>,
          tpu.vector_store_idx %arg7[%shift_right_logical3A_317], %broadcast_in_dim3A_85 {add = true} : memref<32768xi32, #tpu.memory_space<vmem>>[vector<16xi32>], vector<16xi32>,
          tpu.vector_store_idx %arg7[%shift_right_logical3A_321], %broadcast_in_dim3A_85 {add = true} : memref<32768xi32, #tpu.memory_space<vmem>>[vector<16xi32>], vector<16xi32>,
        }
        %scan3A_164 = arith.constant 64 : i32
      } else {
      }
      %add3A_100 = arith.constant 1 : i32
      %add3A_101 = arith.addi %add3A_95, %add3A_100 : i32
      %lt3A_102 = arith.constant 32 : i32
      %lt3A_103 = arith.cmpi slt, %add3A_101, %lt3A_102 : i32
      %convert_element_type3A_104 = arith.extui %lt3A_103 : i1 to i32
      %cond3A_105 = arith.constant 0 : i32
      %cond3A_106 = arith.cmpi ne, %convert_element_type3A_104, %cond3A_105 : i32
      scf.if %cond3A_106 {
        %add3A_114 = arith.constant 2 : i32
        %add3A_115 = arith.addi %add3A_101, %add3A_114 : i32
        %lt3A_116 = arith.constant 32 : i32
        %lt3A_117 = arith.cmpi slt, %add3A_115, %lt3A_116 : i32
        %convert_element_type3A_118 = arith.extui %lt3A_117 : i1 to i32
        %cond3A_119 = arith.constant 0 : i32
        %cond3A_120 = arith.cmpi ne, %convert_element_type3A_118, %cond3A_119 : i32
        scf.if %cond3A_120 {
          %add3A_165 = arith.addi %mul3A_2, %add3A_115 : i32
          %shift_right_logical3A_166 = arith.constant 7 : i32
          %shift_right_logical3A_167 = arith.shrui %add3A_165, %shift_right_logical3A_166 : i32
          %and3A_168 = arith.constant 127 : i32
          %and3A_169 = arith.andi %add3A_165, %and3A_168 : i32
          %dma_start3A_170 = arith.constant 0 : i32
          %dma_start3A_171 = arith.constant 0 : i32
          %dma_start3A_172 = arith.constant 0 : i32
          %dma_start3A_173 = tpu.memref_slice %arg5[%dma_start3A_170, %dma_start3A_171, %dma_start3A_172] : memref<3x128x64xf32, #tpu.memory_space<vmem>> -> memref<1x128x64xf32, #tpu.memory_space<vmem>>
          %dma_start3A_174 = tpu.memref_squeeze %dma_start3A_173 : memref<1x128x64xf32, #tpu.memory_space<vmem>> -> memref<128x64xf32, #tpu.memory_space<vmem>>
          %dma_start3A_175 = arith.constant 0 : i32
          %dma_start3A_176 = arith.constant 0 : i32
          %dma_start3A_177 = tpu.memref_slice %arg2[%shift_right_logical3A_167, %and3A_169, %dma_start3A_175, %dma_start3A_176] : memref<8x128x128x64xf32, #tpu.memory_space<hbm>> -> memref<1x1x128x64xf32, #tpu.memory_space<hbm>>
          %dma_start3A_178 = tpu.memref_squeeze %dma_start3A_177 : memref<1x1x128x64xf32, #tpu.memory_space<hbm>> -> memref<128x64xf32, #tpu.memory_space<hbm>>
          %dma_start3A_179 = arith.constant 0 : i32
          %dma_start3A_180 = arith.constant 0 : i32
          %dma_start3A_181 = tpu.memref_slice %arg5[%dma_start3A_170, %dma_start3A_179, %dma_start3A_180] : memref<3x128x64xf32, #tpu.memory_space<vmem>> -> memref<1x128x64xf32, #tpu.memory_space<vmem>>
          %dma_start3A_182 = tpu.memref_squeeze %dma_start3A_181 : memref<1x128x64xf32, #tpu.memory_space<vmem>> -> memref<128x64xf32, #tpu.memory_space<vmem>>
          %dma_start3A_183 = arith.constant 0 : i32
          %dma_start3A_184 = arith.constant 0 : i32
          %dma_start3A_185 = tpu.memref_slice %arg2[%shift_right_logical3A_167, %and3A_169, %dma_start3A_183, %dma_start3A_184] : memref<8x128x128x64xf32, #tpu.memory_space<hbm>> -> memref<1x1x128x64xf32, #tpu.memory_space<hbm>>
          %dma_start3A_186 = tpu.memref_squeeze %dma_start3A_185 : memref<1x1x128x64xf32, #tpu.memory_space<hbm>> -> memref<128x64xf32, #tpu.memory_space<hbm>>
          tpu.enqueue_dma source(%dma_start3A_186 : memref<128x64xf32, #tpu.memory_space<hbm>>) target(%dma_start3A_182 : memref<128x64xf32, #tpu.memory_space<vmem>>) target_semaphore(%arg8 : memref<!tpu.dma_semaphore, #tpu.memory_space<semaphore_mem>>)
          %dma_start3A_187 = arith.constant 0 : i32
          %dma_start3A_188 = arith.constant 0 : i32
          %dma_start3A_189 = arith.constant 0 : i32
          %dma_start3A_190 = tpu.memref_slice %arg6[%dma_start3A_187, %dma_start3A_188, %dma_start3A_189] : memref<3x128x64xf32, #tpu.memory_space<vmem>> -> memref<1x128x64xf32, #tpu.memory_space<vmem>>
          %dma_start3A_191 = tpu.memref_squeeze %dma_start3A_190 : memref<1x128x64xf32, #tpu.memory_space<vmem>> -> memref<128x64xf32, #tpu.memory_space<vmem>>
          %dma_start3A_192 = arith.constant 0 : i32
          %dma_start3A_193 = arith.constant 0 : i32
          %dma_start3A_194 = tpu.memref_slice %arg3[%shift_right_logical3A_167, %and3A_169, %dma_start3A_192, %dma_start3A_193] : memref<8x128x128x64xf32, #tpu.memory_space<hbm>> -> memref<1x1x128x64xf32, #tpu.memory_space<hbm>>
          %dma_start3A_195 = tpu.memref_squeeze %dma_start3A_194 : memref<1x1x128x64xf32, #tpu.memory_space<hbm>> -> memref<128x64xf32, #tpu.memory_space<hbm>>
          %dma_start3A_196 = arith.constant 0 : i32
          %dma_start3A_197 = arith.constant 0 : i32
          %dma_start3A_198 = tpu.memref_slice %arg6[%dma_start3A_187, %dma_start3A_196, %dma_start3A_197] : memref<3x128x64xf32, #tpu.memory_space<vmem>> -> memref<1x128x64xf32, #tpu.memory_space<vmem>>
          %dma_start3A_199 = tpu.memref_squeeze %dma_start3A_198 : memref<1x128x64xf32, #tpu.memory_space<vmem>> -> memref<128x64xf32, #tpu.memory_space<vmem>>
          %dma_start3A_200 = arith.constant 0 : i32
          %dma_start3A_201 = arith.constant 0 : i32
          %dma_start3A_202 = tpu.memref_slice %arg3[%shift_right_logical3A_167, %and3A_169, %dma_start3A_200, %dma_start3A_201] : memref<8x128x128x64xf32, #tpu.memory_space<hbm>> -> memref<1x1x128x64xf32, #tpu.memory_space<hbm>>
          %dma_start3A_203 = tpu.memref_squeeze %dma_start3A_202 : memref<1x1x128x64xf32, #tpu.memory_space<hbm>> -> memref<128x64xf32, #tpu.memory_space<hbm>>
          tpu.enqueue_dma source(%dma_start3A_203 : memref<128x64xf32, #tpu.memory_space<hbm>>) target(%dma_start3A_199 : memref<128x64xf32, #tpu.memory_space<vmem>>) target_semaphore(%arg11 : memref<!tpu.dma_semaphore, #tpu.memory_space<semaphore_mem>>)
        } else {
        }
        %add3A_121 = arith.addi %mul3A_2, %add3A_101 : i32
        %shift_right_logical3A_122 = arith.constant 7 : i32
        %shift_right_logical3A_123 = arith.shrui %add3A_121, %shift_right_logical3A_122 : i32
        %and3A_124 = arith.constant 127 : i32
        %and3A_125 = arith.andi %add3A_121, %and3A_124 : i32
        %dma_wait3A = arith.constant 1 : i32
        %dma_wait3A_126 = arith.constant 0 : i32
        %dma_wait3A_127 = arith.constant 0 : i32
        %dma_wait3A_128 = tpu.memref_slice %arg5[%dma_wait3A, %dma_wait3A_126, %dma_wait3A_127] : memref<3x128x64xf32, #tpu.memory_space<vmem>> -> memref<1x128x64xf32, #tpu.memory_space<vmem>>
        %dma_wait3A_129 = tpu.memref_squeeze %dma_wait3A_128 : memref<1x128x64xf32, #tpu.memory_space<vmem>> -> memref<128x64xf32, #tpu.memory_space<vmem>>
        %dma_wait3A_130 = arith.constant 0 : i32
        %dma_wait3A_131 = arith.constant 0 : i32
        %dma_wait3A_132 = tpu.memref_slice %arg2[%shift_right_logical3A_123, %and3A_125, %dma_wait3A_130, %dma_wait3A_131] : memref<8x128x128x64xf32, #tpu.memory_space<hbm>> -> memref<1x1x128x64xf32, #tpu.memory_space<hbm>>
        %dma_wait3A_133 = tpu.memref_squeeze %dma_wait3A_132 : memref<1x1x128x64xf32, #tpu.memory_space<hbm>> -> memref<128x64xf32, #tpu.memory_space<hbm>>
        %dma_wait3A_134 = arith.constant 0 : i32
        %dma_wait3A_135 = arith.constant 0 : i32
        %dma_wait3A_136 = tpu.memref_slice %arg5[%dma_wait3A, %dma_wait3A_134, %dma_wait3A_135] : memref<3x128x64xf32, #tpu.memory_space<vmem>> -> memref<1x128x64xf32, #tpu.memory_space<vmem>>
        %dma_wait3A_137 = tpu.memref_squeeze %dma_wait3A_136 : memref<1x128x64xf32, #tpu.memory_space<vmem>> -> memref<128x64xf32, #tpu.memory_space<vmem>>
        %dma_wait3A_138 = arith.constant 0 : i32
        %dma_wait3A_139 = arith.constant 0 : i32
        %dma_wait3A_140 = tpu.memref_slice %arg2[%shift_right_logical3A_123, %and3A_125, %dma_wait3A_138, %dma_wait3A_139] : memref<8x128x128x64xf32, #tpu.memory_space<hbm>> -> memref<1x1x128x64xf32, #tpu.memory_space<hbm>>
        %dma_wait3A_141 = tpu.memref_squeeze %dma_wait3A_140 : memref<1x1x128x64xf32, #tpu.memory_space<hbm>> -> memref<128x64xf32, #tpu.memory_space<hbm>>
        tpu.wait_dma2 semaphore(%arg9 : memref<!tpu.dma_semaphore, #tpu.memory_space<semaphore_mem>>) src(%dma_wait3A_141 : memref<128x64xf32, #tpu.memory_space<hbm>>) dst(%dma_wait3A_137 : memref<128x64xf32, #tpu.memory_space<vmem>>)
        %dma_wait3A_142 = arith.constant 1 : i32
        %dma_wait3A_143 = arith.constant 0 : i32
        %dma_wait3A_144 = arith.constant 0 : i32
        %dma_wait3A_145 = tpu.memref_slice %arg6[%dma_wait3A_142, %dma_wait3A_143, %dma_wait3A_144] : memref<3x128x64xf32, #tpu.memory_space<vmem>> -> memref<1x128x64xf32, #tpu.memory_space<vmem>>
        %dma_wait3A_146 = tpu.memref_squeeze %dma_wait3A_145 : memref<1x128x64xf32, #tpu.memory_space<vmem>> -> memref<128x64xf32, #tpu.memory_space<vmem>>
        %dma_wait3A_147 = arith.constant 0 : i32
        %dma_wait3A_148 = arith.constant 0 : i32
        %dma_wait3A_149 = tpu.memref_slice %arg3[%shift_right_logical3A_123, %and3A_125, %dma_wait3A_147, %dma_wait3A_148] : memref<8x128x128x64xf32, #tpu.memory_space<hbm>> -> memref<1x1x128x64xf32, #tpu.memory_space<hbm>>
        %dma_wait3A_150 = tpu.memref_squeeze %dma_wait3A_149 : memref<1x1x128x64xf32, #tpu.memory_space<hbm>> -> memref<128x64xf32, #tpu.memory_space<hbm>>
        %dma_wait3A_151 = arith.constant 0 : i32
        %dma_wait3A_152 = arith.constant 0 : i32
        %dma_wait3A_153 = tpu.memref_slice %arg6[%dma_wait3A_142, %dma_wait3A_151, %dma_wait3A_152] : memref<3x128x64xf32, #tpu.memory_space<vmem>> -> memref<1x128x64xf32, #tpu.memory_space<vmem>>
        %dma_wait3A_154 = tpu.memref_squeeze %dma_wait3A_153 : memref<1x128x64xf32, #tpu.memory_space<vmem>> -> memref<128x64xf32, #tpu.memory_space<vmem>>
        %dma_wait3A_155 = arith.constant 0 : i32
        %dma_wait3A_156 = arith.constant 0 : i32
        %dma_wait3A_157 = tpu.memref_slice %arg3[%shift_right_logical3A_123, %and3A_125, %dma_wait3A_155, %dma_wait3A_156] : memref<8x128x128x64xf32, #tpu.memory_space<hbm>> -> memref<1x1x128x64xf32, #tpu.memory_space<hbm>>
        %dma_wait3A_158 = tpu.memref_squeeze %dma_wait3A_157 : memref<1x1x128x64xf32, #tpu.memory_space<hbm>> -> memref<128x64xf32, #tpu.memory_space<hbm>>
        tpu.wait_dma2 semaphore(%arg12 : memref<!tpu.dma_semaphore, #tpu.memory_space<semaphore_mem>>) src(%dma_wait3A_158 : memref<128x64xf32, #tpu.memory_space<hbm>>) dst(%dma_wait3A_154 : memref<128x64xf32, #tpu.memory_space<vmem>>)
        %scan3A_159 = arith.constant 0 : i32
        %scan3A_160 = arith.constant 0 : i32
        %scan3A_161 = arith.constant 64 : i32
        %scan3A_162 = arith.addi %scan3A_160, %scan3A_161 : i32
        %scan3A_163 = arith.constant 1 : i32
        scf.for %scan3A_165 = %scan3A_160 to %scan3A_162 step %scan3A_163  : i32 {
          %mul3A_166 = arith.constant 2 : i32
          %mul3A_167 = arith.muli %mul3A_166, %scan3A_165 : i32
          %add3A_168 = arith.constant 0 : i32
          %add3A_169 = arith.addi %mul3A_167, %add3A_168 : i32
          %mul3A_170 = arith.constant 2 : i32
          %mul3A_171 = arith.muli %mul3A_170, %scan3A_165 : i32
          %add3A_172 = arith.constant 0 : i32
          %add3A_173 = arith.addi %mul3A_171, %add3A_172 : i32
          %mul3A_174 = arith.constant 2 : i32
          %mul3A_175 = arith.muli %mul3A_174, %scan3A_165 : i32
          %add3A_176 = arith.constant 0 : i32
          %add3A_177 = arith.addi %mul3A_175, %add3A_176 : i32
          %mul3A_178 = arith.constant 2 : i32
          %mul3A_179 = arith.muli %mul3A_178, %scan3A_165 : i32
          %add3A_180 = arith.constant 0 : i32
          %add3A_181 = arith.addi %mul3A_179, %add3A_180 : i32
          %mul3A_182 = arith.constant 2 : i32
          %mul3A_183 = arith.muli %mul3A_182, %scan3A_165 : i32
          %add3A_184 = arith.constant 1 : i32
          %add3A_185 = arith.addi %mul3A_183, %add3A_184 : i32
          %mul3A_186 = arith.constant 2 : i32
          %mul3A_187 = arith.muli %mul3A_186, %scan3A_165 : i32
          %add3A_188 = arith.constant 1 : i32
          %add3A_189 = arith.addi %mul3A_187, %add3A_188 : i32
          %mul3A_190 = arith.constant 2 : i32
          %mul3A_191 = arith.muli %mul3A_190, %scan3A_165 : i32
          %add3A_192 = arith.constant 1 : i32
          %add3A_193 = arith.addi %mul3A_191, %add3A_192 : i32
          %mul3A_194 = arith.constant 2 : i32
          %mul3A_195 = arith.muli %mul3A_194, %scan3A_165 : i32
          %add3A_196 = arith.constant 1 : i32
          %add3A_197 = arith.addi %mul3A_195, %add3A_196 : i32
          %get3A = arith.constant 1 : i32
          %get3A_198 = arith.index_cast %get3A : i32 to index
          %get3A_199 = arith.index_cast %add3A_169 : i32 to index
          %get3A_200 = arith.constant 0 : index
          %get3A_201 = tpu.vector_load %arg5[%get3A_198, %get3A_199, %get3A_200] {strides = array<i32>} : memref<3x128x64xf32, #tpu.memory_space<vmem>>, vector<16xf32>,
          %get3A_202 = arith.constant 1 : i32
          %get3A_203 = arith.index_cast %get3A_202 : i32 to index
          %get3A_204 = arith.index_cast %add3A_173 : i32 to index
          %get3A_205 = arith.constant 16 : index
          %get3A_206 = tpu.vector_load %arg5[%get3A_203, %get3A_204, %get3A_205] {strides = array<i32>} : memref<3x128x64xf32, #tpu.memory_space<vmem>>, vector<16xf32>,
          %get3A_207 = arith.constant 1 : i32
          %get3A_208 = arith.index_cast %get3A_207 : i32 to index
          %get3A_209 = arith.index_cast %add3A_177 : i32 to index
          %get3A_210 = arith.constant 32 : index
          %get3A_211 = tpu.vector_load %arg5[%get3A_208, %get3A_209, %get3A_210] {strides = array<i32>} : memref<3x128x64xf32, #tpu.memory_space<vmem>>, vector<16xf32>,
          %get3A_212 = arith.constant 1 : i32
          %get3A_213 = arith.index_cast %get3A_212 : i32 to index
          %get3A_214 = arith.index_cast %add3A_181 : i32 to index
          %get3A_215 = arith.constant 48 : index
          %get3A_216 = tpu.vector_load %arg5[%get3A_213, %get3A_214, %get3A_215] {strides = array<i32>} : memref<3x128x64xf32, #tpu.memory_space<vmem>>, vector<16xf32>,
          %get3A_217 = arith.constant 1 : i32
          %get3A_218 = arith.index_cast %get3A_217 : i32 to index
          %get3A_219 = arith.index_cast %add3A_185 : i32 to index
          %get3A_220 = arith.constant 0 : index
          %get3A_221 = tpu.vector_load %arg5[%get3A_218, %get3A_219, %get3A_220] {strides = array<i32>} : memref<3x128x64xf32, #tpu.memory_space<vmem>>, vector<16xf32>,
          %get3A_222 = arith.constant 1 : i32
          %get3A_223 = arith.index_cast %get3A_222 : i32 to index
          %get3A_224 = arith.index_cast %add3A_189 : i32 to index
          %get3A_225 = arith.constant 16 : index
          %get3A_226 = tpu.vector_load %arg5[%get3A_223, %get3A_224, %get3A_225] {strides = array<i32>} : memref<3x128x64xf32, #tpu.memory_space<vmem>>, vector<16xf32>,
          %get3A_227 = arith.constant 1 : i32
          %get3A_228 = arith.index_cast %get3A_227 : i32 to index
          %get3A_229 = arith.index_cast %add3A_193 : i32 to index
          %get3A_230 = arith.constant 32 : index
          %get3A_231 = tpu.vector_load %arg5[%get3A_228, %get3A_229, %get3A_230] {strides = array<i32>} : memref<3x128x64xf32, #tpu.memory_space<vmem>>, vector<16xf32>,
          %get3A_232 = arith.constant 1 : i32
          %get3A_233 = arith.index_cast %get3A_232 : i32 to index
          %get3A_234 = arith.index_cast %add3A_197 : i32 to index
          %get3A_235 = arith.constant 48 : index
          %get3A_236 = tpu.vector_load %arg5[%get3A_233, %get3A_234, %get3A_235] {strides = array<i32>} : memref<3x128x64xf32, #tpu.memory_space<vmem>>, vector<16xf32>,
          %get3A_237 = arith.constant 1 : i32
          %get3A_238 = arith.index_cast %get3A_237 : i32 to index
          %get3A_239 = arith.index_cast %add3A_169 : i32 to index
          %get3A_240 = arith.constant 0 : index
          %get3A_241 = tpu.vector_load %arg6[%get3A_238, %get3A_239, %get3A_240] {strides = array<i32>} : memref<3x128x64xf32, #tpu.memory_space<vmem>>, vector<16xf32>,
          %get3A_242 = arith.constant 1 : i32
          %get3A_243 = arith.index_cast %get3A_242 : i32 to index
          %get3A_244 = arith.index_cast %add3A_173 : i32 to index
          %get3A_245 = arith.constant 16 : index
          %get3A_246 = tpu.vector_load %arg6[%get3A_243, %get3A_244, %get3A_245] {strides = array<i32>} : memref<3x128x64xf32, #tpu.memory_space<vmem>>, vector<16xf32>,
          %get3A_247 = arith.constant 1 : i32
          %get3A_248 = arith.index_cast %get3A_247 : i32 to index
          %get3A_249 = arith.index_cast %add3A_177 : i32 to index
          %get3A_250 = arith.constant 32 : index
          %get3A_251 = tpu.vector_load %arg6[%get3A_248, %get3A_249, %get3A_250] {strides = array<i32>} : memref<3x128x64xf32, #tpu.memory_space<vmem>>, vector<16xf32>,
          %get3A_252 = arith.constant 1 : i32
          %get3A_253 = arith.index_cast %get3A_252 : i32 to index
          %get3A_254 = arith.index_cast %add3A_181 : i32 to index
          %get3A_255 = arith.constant 48 : index
          %get3A_256 = tpu.vector_load %arg6[%get3A_253, %get3A_254, %get3A_255] {strides = array<i32>} : memref<3x128x64xf32, #tpu.memory_space<vmem>>, vector<16xf32>,
          %get3A_257 = arith.constant 1 : i32
          %get3A_258 = arith.index_cast %get3A_257 : i32 to index
          %get3A_259 = arith.index_cast %add3A_185 : i32 to index
          %get3A_260 = arith.constant 0 : index
          %get3A_261 = tpu.vector_load %arg6[%get3A_258, %get3A_259, %get3A_260] {strides = array<i32>} : memref<3x128x64xf32, #tpu.memory_space<vmem>>, vector<16xf32>,
          %get3A_262 = arith.constant 1 : i32
          %get3A_263 = arith.index_cast %get3A_262 : i32 to index
          %get3A_264 = arith.index_cast %add3A_189 : i32 to index
          %get3A_265 = arith.constant 16 : index
          %get3A_266 = tpu.vector_load %arg6[%get3A_263, %get3A_264, %get3A_265] {strides = array<i32>} : memref<3x128x64xf32, #tpu.memory_space<vmem>>, vector<16xf32>,
          %get3A_267 = arith.constant 1 : i32
          %get3A_268 = arith.index_cast %get3A_267 : i32 to index
          %get3A_269 = arith.index_cast %add3A_193 : i32 to index
          %get3A_270 = arith.constant 32 : index
          %get3A_271 = tpu.vector_load %arg6[%get3A_268, %get3A_269, %get3A_270] {strides = array<i32>} : memref<3x128x64xf32, #tpu.memory_space<vmem>>, vector<16xf32>,
          %get3A_272 = arith.constant 1 : i32
          %get3A_273 = arith.index_cast %get3A_272 : i32 to index
          %get3A_274 = arith.index_cast %add3A_197 : i32 to index
          %get3A_275 = arith.constant 48 : index
          %get3A_276 = tpu.vector_load %arg6[%get3A_273, %get3A_274, %get3A_275] {strides = array<i32>} : memref<3x128x64xf32, #tpu.memory_space<vmem>>, vector<16xf32>,
          %sub3A = arith.subf %get3A_201, %get3A_241 : vector<16xf32>
          %abs3A = math.absf %sub3A : vector<16xf32>
          %sub3A_277 = arith.subf %get3A_206, %get3A_246 : vector<16xf32>
          %abs3A_278 = math.absf %sub3A_277 : vector<16xf32>
          %sub3A_279 = arith.subf %get3A_211, %get3A_251 : vector<16xf32>
          %abs3A_280 = math.absf %sub3A_279 : vector<16xf32>
          %sub3A_281 = arith.subf %get3A_216, %get3A_256 : vector<16xf32>
          %abs3A_282 = math.absf %sub3A_281 : vector<16xf32>
          %sub3A_283 = arith.subf %get3A_221, %get3A_261 : vector<16xf32>
          %abs3A_284 = math.absf %sub3A_283 : vector<16xf32>
          %sub3A_285 = arith.subf %get3A_226, %get3A_266 : vector<16xf32>
          %abs3A_286 = math.absf %sub3A_285 : vector<16xf32>
          %sub3A_287 = arith.subf %get3A_231, %get3A_271 : vector<16xf32>
          %abs3A_288 = math.absf %sub3A_287 : vector<16xf32>
          %sub3A_289 = arith.subf %get3A_236, %get3A_276 : vector<16xf32>
          %abs3A_290 = math.absf %sub3A_289 : vector<16xf32>
          %bitcast_convert_type3A = tpu.bitcast %abs3A : vector<16xf32> -> vector<16xi32>
          %shift_right_logical3A_291 = arith.constant 16 : i32
          %shift_right_logical3A_292 = vector.broadcast %shift_right_logical3A_291 : i32 to vector<16xi32>
          %shift_right_logical3A_293 = arith.shrui %bitcast_convert_type3A, %shift_right_logical3A_292 : vector<16xi32>
          %bitcast_convert_type3A_294 = tpu.bitcast %abs3A_278 : vector<16xf32> -> vector<16xi32>
          %shift_right_logical3A_295 = arith.constant 16 : i32
          %shift_right_logical3A_296 = vector.broadcast %shift_right_logical3A_295 : i32 to vector<16xi32>
          %shift_right_logical3A_297 = arith.shrui %bitcast_convert_type3A_294, %shift_right_logical3A_296 : vector<16xi32>
          %bitcast_convert_type3A_298 = tpu.bitcast %abs3A_280 : vector<16xf32> -> vector<16xi32>
          %shift_right_logical3A_299 = arith.constant 16 : i32
          %shift_right_logical3A_300 = vector.broadcast %shift_right_logical3A_299 : i32 to vector<16xi32>
          %shift_right_logical3A_301 = arith.shrui %bitcast_convert_type3A_298, %shift_right_logical3A_300 : vector<16xi32>
          %bitcast_convert_type3A_302 = tpu.bitcast %abs3A_282 : vector<16xf32> -> vector<16xi32>
          %shift_right_logical3A_303 = arith.constant 16 : i32
          %shift_right_logical3A_304 = vector.broadcast %shift_right_logical3A_303 : i32 to vector<16xi32>
          %shift_right_logical3A_305 = arith.shrui %bitcast_convert_type3A_302, %shift_right_logical3A_304 : vector<16xi32>
          %bitcast_convert_type3A_306 = tpu.bitcast %abs3A_284 : vector<16xf32> -> vector<16xi32>
          %shift_right_logical3A_307 = arith.constant 16 : i32
          %shift_right_logical3A_308 = vector.broadcast %shift_right_logical3A_307 : i32 to vector<16xi32>
          %shift_right_logical3A_309 = arith.shrui %bitcast_convert_type3A_306, %shift_right_logical3A_308 : vector<16xi32>
          %bitcast_convert_type3A_310 = tpu.bitcast %abs3A_286 : vector<16xf32> -> vector<16xi32>
          %shift_right_logical3A_311 = arith.constant 16 : i32
          %shift_right_logical3A_312 = vector.broadcast %shift_right_logical3A_311 : i32 to vector<16xi32>
          %shift_right_logical3A_313 = arith.shrui %bitcast_convert_type3A_310, %shift_right_logical3A_312 : vector<16xi32>
          %bitcast_convert_type3A_314 = tpu.bitcast %abs3A_288 : vector<16xf32> -> vector<16xi32>
          %shift_right_logical3A_315 = arith.constant 16 : i32
          %shift_right_logical3A_316 = vector.broadcast %shift_right_logical3A_315 : i32 to vector<16xi32>
          %shift_right_logical3A_317 = arith.shrui %bitcast_convert_type3A_314, %shift_right_logical3A_316 : vector<16xi32>
          %bitcast_convert_type3A_318 = tpu.bitcast %abs3A_290 : vector<16xf32> -> vector<16xi32>
          %shift_right_logical3A_319 = arith.constant 16 : i32
          %shift_right_logical3A_320 = vector.broadcast %shift_right_logical3A_319 : i32 to vector<16xi32>
          %shift_right_logical3A_321 = arith.shrui %bitcast_convert_type3A_318, %shift_right_logical3A_320 : vector<16xi32>
          tpu.vector_store_idx %arg7[%shift_right_logical3A_293], %broadcast_in_dim3A_85 {add = true} : memref<32768xi32, #tpu.memory_space<vmem>>[vector<16xi32>], vector<16xi32>,
          tpu.vector_store_idx %arg7[%shift_right_logical3A_297], %broadcast_in_dim3A_85 {add = true} : memref<32768xi32, #tpu.memory_space<vmem>>[vector<16xi32>], vector<16xi32>,
          tpu.vector_store_idx %arg7[%shift_right_logical3A_301], %broadcast_in_dim3A_85 {add = true} : memref<32768xi32, #tpu.memory_space<vmem>>[vector<16xi32>], vector<16xi32>,
          tpu.vector_store_idx %arg7[%shift_right_logical3A_305], %broadcast_in_dim3A_85 {add = true} : memref<32768xi32, #tpu.memory_space<vmem>>[vector<16xi32>], vector<16xi32>,
          tpu.vector_store_idx %arg7[%shift_right_logical3A_309], %broadcast_in_dim3A_85 {add = true} : memref<32768xi32, #tpu.memory_space<vmem>>[vector<16xi32>], vector<16xi32>,
          tpu.vector_store_idx %arg7[%shift_right_logical3A_313], %broadcast_in_dim3A_85 {add = true} : memref<32768xi32, #tpu.memory_space<vmem>>[vector<16xi32>], vector<16xi32>,
          tpu.vector_store_idx %arg7[%shift_right_logical3A_317], %broadcast_in_dim3A_85 {add = true} : memref<32768xi32, #tpu.memory_space<vmem>>[vector<16xi32>], vector<16xi32>,
          tpu.vector_store_idx %arg7[%shift_right_logical3A_321], %broadcast_in_dim3A_85 {add = true} : memref<32768xi32, #tpu.memory_space<vmem>>[vector<16xi32>], vector<16xi32>,
        }
        %scan3A_164 = arith.constant 64 : i32
      } else {
      }
      %add3A_107 = arith.constant 2 : i32
      %add3A_108 = arith.addi %add3A_95, %add3A_107 : i32
      %lt3A_109 = arith.constant 32 : i32
      %lt3A_110 = arith.cmpi slt, %add3A_108, %lt3A_109 : i32
      %convert_element_type3A_111 = arith.extui %lt3A_110 : i1 to i32
      %cond3A_112 = arith.constant 0 : i32
      %cond3A_113 = arith.cmpi ne, %convert_element_type3A_111, %cond3A_112 : i32
      scf.if %cond3A_113 {
        %add3A_114 = arith.constant 2 : i32
        %add3A_115 = arith.addi %add3A_108, %add3A_114 : i32
        %lt3A_116 = arith.constant 32 : i32
        %lt3A_117 = arith.cmpi slt, %add3A_115, %lt3A_116 : i32
        %convert_element_type3A_118 = arith.extui %lt3A_117 : i1 to i32
        %cond3A_119 = arith.constant 0 : i32
        %cond3A_120 = arith.cmpi ne, %convert_element_type3A_118, %cond3A_119 : i32
        scf.if %cond3A_120 {
          %add3A_165 = arith.addi %mul3A_2, %add3A_115 : i32
          %shift_right_logical3A_166 = arith.constant 7 : i32
          %shift_right_logical3A_167 = arith.shrui %add3A_165, %shift_right_logical3A_166 : i32
          %and3A_168 = arith.constant 127 : i32
          %and3A_169 = arith.andi %add3A_165, %and3A_168 : i32
          %dma_start3A_170 = arith.constant 1 : i32
          %dma_start3A_171 = arith.constant 0 : i32
          %dma_start3A_172 = arith.constant 0 : i32
          %dma_start3A_173 = tpu.memref_slice %arg5[%dma_start3A_170, %dma_start3A_171, %dma_start3A_172] : memref<3x128x64xf32, #tpu.memory_space<vmem>> -> memref<1x128x64xf32, #tpu.memory_space<vmem>>
          %dma_start3A_174 = tpu.memref_squeeze %dma_start3A_173 : memref<1x128x64xf32, #tpu.memory_space<vmem>> -> memref<128x64xf32, #tpu.memory_space<vmem>>
          %dma_start3A_175 = arith.constant 0 : i32
          %dma_start3A_176 = arith.constant 0 : i32
          %dma_start3A_177 = tpu.memref_slice %arg2[%shift_right_logical3A_167, %and3A_169, %dma_start3A_175, %dma_start3A_176] : memref<8x128x128x64xf32, #tpu.memory_space<hbm>> -> memref<1x1x128x64xf32, #tpu.memory_space<hbm>>
          %dma_start3A_178 = tpu.memref_squeeze %dma_start3A_177 : memref<1x1x128x64xf32, #tpu.memory_space<hbm>> -> memref<128x64xf32, #tpu.memory_space<hbm>>
          %dma_start3A_179 = arith.constant 0 : i32
          %dma_start3A_180 = arith.constant 0 : i32
          %dma_start3A_181 = tpu.memref_slice %arg5[%dma_start3A_170, %dma_start3A_179, %dma_start3A_180] : memref<3x128x64xf32, #tpu.memory_space<vmem>> -> memref<1x128x64xf32, #tpu.memory_space<vmem>>
          %dma_start3A_182 = tpu.memref_squeeze %dma_start3A_181 : memref<1x128x64xf32, #tpu.memory_space<vmem>> -> memref<128x64xf32, #tpu.memory_space<vmem>>
          %dma_start3A_183 = arith.constant 0 : i32
          %dma_start3A_184 = arith.constant 0 : i32
          %dma_start3A_185 = tpu.memref_slice %arg2[%shift_right_logical3A_167, %and3A_169, %dma_start3A_183, %dma_start3A_184] : memref<8x128x128x64xf32, #tpu.memory_space<hbm>> -> memref<1x1x128x64xf32, #tpu.memory_space<hbm>>
          %dma_start3A_186 = tpu.memref_squeeze %dma_start3A_185 : memref<1x1x128x64xf32, #tpu.memory_space<hbm>> -> memref<128x64xf32, #tpu.memory_space<hbm>>
          tpu.enqueue_dma source(%dma_start3A_186 : memref<128x64xf32, #tpu.memory_space<hbm>>) target(%dma_start3A_182 : memref<128x64xf32, #tpu.memory_space<vmem>>) target_semaphore(%arg9 : memref<!tpu.dma_semaphore, #tpu.memory_space<semaphore_mem>>)
          %dma_start3A_187 = arith.constant 1 : i32
          %dma_start3A_188 = arith.constant 0 : i32
          %dma_start3A_189 = arith.constant 0 : i32
          %dma_start3A_190 = tpu.memref_slice %arg6[%dma_start3A_187, %dma_start3A_188, %dma_start3A_189] : memref<3x128x64xf32, #tpu.memory_space<vmem>> -> memref<1x128x64xf32, #tpu.memory_space<vmem>>
          %dma_start3A_191 = tpu.memref_squeeze %dma_start3A_190 : memref<1x128x64xf32, #tpu.memory_space<vmem>> -> memref<128x64xf32, #tpu.memory_space<vmem>>
          %dma_start3A_192 = arith.constant 0 : i32
          %dma_start3A_193 = arith.constant 0 : i32
          %dma_start3A_194 = tpu.memref_slice %arg3[%shift_right_logical3A_167, %and3A_169, %dma_start3A_192, %dma_start3A_193] : memref<8x128x128x64xf32, #tpu.memory_space<hbm>> -> memref<1x1x128x64xf32, #tpu.memory_space<hbm>>
          %dma_start3A_195 = tpu.memref_squeeze %dma_start3A_194 : memref<1x1x128x64xf32, #tpu.memory_space<hbm>> -> memref<128x64xf32, #tpu.memory_space<hbm>>
          %dma_start3A_196 = arith.constant 0 : i32
          %dma_start3A_197 = arith.constant 0 : i32
          %dma_start3A_198 = tpu.memref_slice %arg6[%dma_start3A_187, %dma_start3A_196, %dma_start3A_197] : memref<3x128x64xf32, #tpu.memory_space<vmem>> -> memref<1x128x64xf32, #tpu.memory_space<vmem>>
          %dma_start3A_199 = tpu.memref_squeeze %dma_start3A_198 : memref<1x128x64xf32, #tpu.memory_space<vmem>> -> memref<128x64xf32, #tpu.memory_space<vmem>>
          %dma_start3A_200 = arith.constant 0 : i32
          %dma_start3A_201 = arith.constant 0 : i32
          %dma_start3A_202 = tpu.memref_slice %arg3[%shift_right_logical3A_167, %and3A_169, %dma_start3A_200, %dma_start3A_201] : memref<8x128x128x64xf32, #tpu.memory_space<hbm>> -> memref<1x1x128x64xf32, #tpu.memory_space<hbm>>
          %dma_start3A_203 = tpu.memref_squeeze %dma_start3A_202 : memref<1x1x128x64xf32, #tpu.memory_space<hbm>> -> memref<128x64xf32, #tpu.memory_space<hbm>>
          tpu.enqueue_dma source(%dma_start3A_203 : memref<128x64xf32, #tpu.memory_space<hbm>>) target(%dma_start3A_199 : memref<128x64xf32, #tpu.memory_space<vmem>>) target_semaphore(%arg12 : memref<!tpu.dma_semaphore, #tpu.memory_space<semaphore_mem>>)
        } else {
        }
        %add3A_121 = arith.addi %mul3A_2, %add3A_108 : i32
        %shift_right_logical3A_122 = arith.constant 7 : i32
        %shift_right_logical3A_123 = arith.shrui %add3A_121, %shift_right_logical3A_122 : i32
        %and3A_124 = arith.constant 127 : i32
        %and3A_125 = arith.andi %add3A_121, %and3A_124 : i32
        %dma_wait3A = arith.constant 2 : i32
        %dma_wait3A_126 = arith.constant 0 : i32
        %dma_wait3A_127 = arith.constant 0 : i32
        %dma_wait3A_128 = tpu.memref_slice %arg5[%dma_wait3A, %dma_wait3A_126, %dma_wait3A_127] : memref<3x128x64xf32, #tpu.memory_space<vmem>> -> memref<1x128x64xf32, #tpu.memory_space<vmem>>
        %dma_wait3A_129 = tpu.memref_squeeze %dma_wait3A_128 : memref<1x128x64xf32, #tpu.memory_space<vmem>> -> memref<128x64xf32, #tpu.memory_space<vmem>>
        %dma_wait3A_130 = arith.constant 0 : i32
        %dma_wait3A_131 = arith.constant 0 : i32
        %dma_wait3A_132 = tpu.memref_slice %arg2[%shift_right_logical3A_123, %and3A_125, %dma_wait3A_130, %dma_wait3A_131] : memref<8x128x128x64xf32, #tpu.memory_space<hbm>> -> memref<1x1x128x64xf32, #tpu.memory_space<hbm>>
        %dma_wait3A_133 = tpu.memref_squeeze %dma_wait3A_132 : memref<1x1x128x64xf32, #tpu.memory_space<hbm>> -> memref<128x64xf32, #tpu.memory_space<hbm>>
        %dma_wait3A_134 = arith.constant 0 : i32
        %dma_wait3A_135 = arith.constant 0 : i32
        %dma_wait3A_136 = tpu.memref_slice %arg5[%dma_wait3A, %dma_wait3A_134, %dma_wait3A_135] : memref<3x128x64xf32, #tpu.memory_space<vmem>> -> memref<1x128x64xf32, #tpu.memory_space<vmem>>
        %dma_wait3A_137 = tpu.memref_squeeze %dma_wait3A_136 : memref<1x128x64xf32, #tpu.memory_space<vmem>> -> memref<128x64xf32, #tpu.memory_space<vmem>>
        %dma_wait3A_138 = arith.constant 0 : i32
        %dma_wait3A_139 = arith.constant 0 : i32
        %dma_wait3A_140 = tpu.memref_slice %arg2[%shift_right_logical3A_123, %and3A_125, %dma_wait3A_138, %dma_wait3A_139] : memref<8x128x128x64xf32, #tpu.memory_space<hbm>> -> memref<1x1x128x64xf32, #tpu.memory_space<hbm>>
        %dma_wait3A_141 = tpu.memref_squeeze %dma_wait3A_140 : memref<1x1x128x64xf32, #tpu.memory_space<hbm>> -> memref<128x64xf32, #tpu.memory_space<hbm>>
        tpu.wait_dma2 semaphore(%arg10 : memref<!tpu.dma_semaphore, #tpu.memory_space<semaphore_mem>>) src(%dma_wait3A_141 : memref<128x64xf32, #tpu.memory_space<hbm>>) dst(%dma_wait3A_137 : memref<128x64xf32, #tpu.memory_space<vmem>>)
        %dma_wait3A_142 = arith.constant 2 : i32
        %dma_wait3A_143 = arith.constant 0 : i32
        %dma_wait3A_144 = arith.constant 0 : i32
        %dma_wait3A_145 = tpu.memref_slice %arg6[%dma_wait3A_142, %dma_wait3A_143, %dma_wait3A_144] : memref<3x128x64xf32, #tpu.memory_space<vmem>> -> memref<1x128x64xf32, #tpu.memory_space<vmem>>
        %dma_wait3A_146 = tpu.memref_squeeze %dma_wait3A_145 : memref<1x128x64xf32, #tpu.memory_space<vmem>> -> memref<128x64xf32, #tpu.memory_space<vmem>>
        %dma_wait3A_147 = arith.constant 0 : i32
        %dma_wait3A_148 = arith.constant 0 : i32
        %dma_wait3A_149 = tpu.memref_slice %arg3[%shift_right_logical3A_123, %and3A_125, %dma_wait3A_147, %dma_wait3A_148] : memref<8x128x128x64xf32, #tpu.memory_space<hbm>> -> memref<1x1x128x64xf32, #tpu.memory_space<hbm>>
        %dma_wait3A_150 = tpu.memref_squeeze %dma_wait3A_149 : memref<1x1x128x64xf32, #tpu.memory_space<hbm>> -> memref<128x64xf32, #tpu.memory_space<hbm>>
        %dma_wait3A_151 = arith.constant 0 : i32
        %dma_wait3A_152 = arith.constant 0 : i32
        %dma_wait3A_153 = tpu.memref_slice %arg6[%dma_wait3A_142, %dma_wait3A_151, %dma_wait3A_152] : memref<3x128x64xf32, #tpu.memory_space<vmem>> -> memref<1x128x64xf32, #tpu.memory_space<vmem>>
        %dma_wait3A_154 = tpu.memref_squeeze %dma_wait3A_153 : memref<1x128x64xf32, #tpu.memory_space<vmem>> -> memref<128x64xf32, #tpu.memory_space<vmem>>
        %dma_wait3A_155 = arith.constant 0 : i32
        %dma_wait3A_156 = arith.constant 0 : i32
        %dma_wait3A_157 = tpu.memref_slice %arg3[%shift_right_logical3A_123, %and3A_125, %dma_wait3A_155, %dma_wait3A_156] : memref<8x128x128x64xf32, #tpu.memory_space<hbm>> -> memref<1x1x128x64xf32, #tpu.memory_space<hbm>>
        %dma_wait3A_158 = tpu.memref_squeeze %dma_wait3A_157 : memref<1x1x128x64xf32, #tpu.memory_space<hbm>> -> memref<128x64xf32, #tpu.memory_space<hbm>>
        tpu.wait_dma2 semaphore(%arg13 : memref<!tpu.dma_semaphore, #tpu.memory_space<semaphore_mem>>) src(%dma_wait3A_158 : memref<128x64xf32, #tpu.memory_space<hbm>>) dst(%dma_wait3A_154 : memref<128x64xf32, #tpu.memory_space<vmem>>)
        %scan3A_159 = arith.constant 0 : i32
        %scan3A_160 = arith.constant 0 : i32
        %scan3A_161 = arith.constant 64 : i32
        %scan3A_162 = arith.addi %scan3A_160, %scan3A_161 : i32
        %scan3A_163 = arith.constant 1 : i32
        scf.for %scan3A_165 = %scan3A_160 to %scan3A_162 step %scan3A_163  : i32 {
          %mul3A_166 = arith.constant 2 : i32
          %mul3A_167 = arith.muli %mul3A_166, %scan3A_165 : i32
          %add3A_168 = arith.constant 0 : i32
          %add3A_169 = arith.addi %mul3A_167, %add3A_168 : i32
          %mul3A_170 = arith.constant 2 : i32
          %mul3A_171 = arith.muli %mul3A_170, %scan3A_165 : i32
          %add3A_172 = arith.constant 0 : i32
          %add3A_173 = arith.addi %mul3A_171, %add3A_172 : i32
          %mul3A_174 = arith.constant 2 : i32
          %mul3A_175 = arith.muli %mul3A_174, %scan3A_165 : i32
          %add3A_176 = arith.constant 0 : i32
          %add3A_177 = arith.addi %mul3A_175, %add3A_176 : i32
          %mul3A_178 = arith.constant 2 : i32
          %mul3A_179 = arith.muli %mul3A_178, %scan3A_165 : i32
          %add3A_180 = arith.constant 0 : i32
          %add3A_181 = arith.addi %mul3A_179, %add3A_180 : i32
          %mul3A_182 = arith.constant 2 : i32
          %mul3A_183 = arith.muli %mul3A_182, %scan3A_165 : i32
          %add3A_184 = arith.constant 1 : i32
          %add3A_185 = arith.addi %mul3A_183, %add3A_184 : i32
          %mul3A_186 = arith.constant 2 : i32
          %mul3A_187 = arith.muli %mul3A_186, %scan3A_165 : i32
          %add3A_188 = arith.constant 1 : i32
          %add3A_189 = arith.addi %mul3A_187, %add3A_188 : i32
          %mul3A_190 = arith.constant 2 : i32
          %mul3A_191 = arith.muli %mul3A_190, %scan3A_165 : i32
          %add3A_192 = arith.constant 1 : i32
          %add3A_193 = arith.addi %mul3A_191, %add3A_192 : i32
          %mul3A_194 = arith.constant 2 : i32
          %mul3A_195 = arith.muli %mul3A_194, %scan3A_165 : i32
          %add3A_196 = arith.constant 1 : i32
          %add3A_197 = arith.addi %mul3A_195, %add3A_196 : i32
          %get3A = arith.constant 2 : i32
          %get3A_198 = arith.index_cast %get3A : i32 to index
          %get3A_199 = arith.index_cast %add3A_169 : i32 to index
          %get3A_200 = arith.constant 0 : index
          %get3A_201 = tpu.vector_load %arg5[%get3A_198, %get3A_199, %get3A_200] {strides = array<i32>} : memref<3x128x64xf32, #tpu.memory_space<vmem>>, vector<16xf32>,
          %get3A_202 = arith.constant 2 : i32
          %get3A_203 = arith.index_cast %get3A_202 : i32 to index
          %get3A_204 = arith.index_cast %add3A_173 : i32 to index
          %get3A_205 = arith.constant 16 : index
          %get3A_206 = tpu.vector_load %arg5[%get3A_203, %get3A_204, %get3A_205] {strides = array<i32>} : memref<3x128x64xf32, #tpu.memory_space<vmem>>, vector<16xf32>,
          %get3A_207 = arith.constant 2 : i32
          %get3A_208 = arith.index_cast %get3A_207 : i32 to index
          %get3A_209 = arith.index_cast %add3A_177 : i32 to index
          %get3A_210 = arith.constant 32 : index
          %get3A_211 = tpu.vector_load %arg5[%get3A_208, %get3A_209, %get3A_210] {strides = array<i32>} : memref<3x128x64xf32, #tpu.memory_space<vmem>>, vector<16xf32>,
          %get3A_212 = arith.constant 2 : i32
          %get3A_213 = arith.index_cast %get3A_212 : i32 to index
          %get3A_214 = arith.index_cast %add3A_181 : i32 to index
          %get3A_215 = arith.constant 48 : index
          %get3A_216 = tpu.vector_load %arg5[%get3A_213, %get3A_214, %get3A_215] {strides = array<i32>} : memref<3x128x64xf32, #tpu.memory_space<vmem>>, vector<16xf32>,
          %get3A_217 = arith.constant 2 : i32
          %get3A_218 = arith.index_cast %get3A_217 : i32 to index
          %get3A_219 = arith.index_cast %add3A_185 : i32 to index
          %get3A_220 = arith.constant 0 : index
          %get3A_221 = tpu.vector_load %arg5[%get3A_218, %get3A_219, %get3A_220] {strides = array<i32>} : memref<3x128x64xf32, #tpu.memory_space<vmem>>, vector<16xf32>,
          %get3A_222 = arith.constant 2 : i32
          %get3A_223 = arith.index_cast %get3A_222 : i32 to index
          %get3A_224 = arith.index_cast %add3A_189 : i32 to index
          %get3A_225 = arith.constant 16 : index
          %get3A_226 = tpu.vector_load %arg5[%get3A_223, %get3A_224, %get3A_225] {strides = array<i32>} : memref<3x128x64xf32, #tpu.memory_space<vmem>>, vector<16xf32>,
          %get3A_227 = arith.constant 2 : i32
          %get3A_228 = arith.index_cast %get3A_227 : i32 to index
          %get3A_229 = arith.index_cast %add3A_193 : i32 to index
          %get3A_230 = arith.constant 32 : index
          %get3A_231 = tpu.vector_load %arg5[%get3A_228, %get3A_229, %get3A_230] {strides = array<i32>} : memref<3x128x64xf32, #tpu.memory_space<vmem>>, vector<16xf32>,
          %get3A_232 = arith.constant 2 : i32
          %get3A_233 = arith.index_cast %get3A_232 : i32 to index
          %get3A_234 = arith.index_cast %add3A_197 : i32 to index
          %get3A_235 = arith.constant 48 : index
          %get3A_236 = tpu.vector_load %arg5[%get3A_233, %get3A_234, %get3A_235] {strides = array<i32>} : memref<3x128x64xf32, #tpu.memory_space<vmem>>, vector<16xf32>,
          %get3A_237 = arith.constant 2 : i32
          %get3A_238 = arith.index_cast %get3A_237 : i32 to index
          %get3A_239 = arith.index_cast %add3A_169 : i32 to index
          %get3A_240 = arith.constant 0 : index
          %get3A_241 = tpu.vector_load %arg6[%get3A_238, %get3A_239, %get3A_240] {strides = array<i32>} : memref<3x128x64xf32, #tpu.memory_space<vmem>>, vector<16xf32>,
          %get3A_242 = arith.constant 2 : i32
          %get3A_243 = arith.index_cast %get3A_242 : i32 to index
          %get3A_244 = arith.index_cast %add3A_173 : i32 to index
          %get3A_245 = arith.constant 16 : index
          %get3A_246 = tpu.vector_load %arg6[%get3A_243, %get3A_244, %get3A_245] {strides = array<i32>} : memref<3x128x64xf32, #tpu.memory_space<vmem>>, vector<16xf32>,
          %get3A_247 = arith.constant 2 : i32
          %get3A_248 = arith.index_cast %get3A_247 : i32 to index
          %get3A_249 = arith.index_cast %add3A_177 : i32 to index
          %get3A_250 = arith.constant 32 : index
          %get3A_251 = tpu.vector_load %arg6[%get3A_248, %get3A_249, %get3A_250] {strides = array<i32>} : memref<3x128x64xf32, #tpu.memory_space<vmem>>, vector<16xf32>,
          %get3A_252 = arith.constant 2 : i32
          %get3A_253 = arith.index_cast %get3A_252 : i32 to index
          %get3A_254 = arith.index_cast %add3A_181 : i32 to index
          %get3A_255 = arith.constant 48 : index
          %get3A_256 = tpu.vector_load %arg6[%get3A_253, %get3A_254, %get3A_255] {strides = array<i32>} : memref<3x128x64xf32, #tpu.memory_space<vmem>>, vector<16xf32>,
          %get3A_257 = arith.constant 2 : i32
          %get3A_258 = arith.index_cast %get3A_257 : i32 to index
          %get3A_259 = arith.index_cast %add3A_185 : i32 to index
          %get3A_260 = arith.constant 0 : index
          %get3A_261 = tpu.vector_load %arg6[%get3A_258, %get3A_259, %get3A_260] {strides = array<i32>} : memref<3x128x64xf32, #tpu.memory_space<vmem>>, vector<16xf32>,
          %get3A_262 = arith.constant 2 : i32
          %get3A_263 = arith.index_cast %get3A_262 : i32 to index
          %get3A_264 = arith.index_cast %add3A_189 : i32 to index
          %get3A_265 = arith.constant 16 : index
          %get3A_266 = tpu.vector_load %arg6[%get3A_263, %get3A_264, %get3A_265] {strides = array<i32>} : memref<3x128x64xf32, #tpu.memory_space<vmem>>, vector<16xf32>,
          %get3A_267 = arith.constant 2 : i32
          %get3A_268 = arith.index_cast %get3A_267 : i32 to index
          %get3A_269 = arith.index_cast %add3A_193 : i32 to index
          %get3A_270 = arith.constant 32 : index
          %get3A_271 = tpu.vector_load %arg6[%get3A_268, %get3A_269, %get3A_270] {strides = array<i32>} : memref<3x128x64xf32, #tpu.memory_space<vmem>>, vector<16xf32>,
          %get3A_272 = arith.constant 2 : i32
          %get3A_273 = arith.index_cast %get3A_272 : i32 to index
          %get3A_274 = arith.index_cast %add3A_197 : i32 to index
          %get3A_275 = arith.constant 48 : index
          %get3A_276 = tpu.vector_load %arg6[%get3A_273, %get3A_274, %get3A_275] {strides = array<i32>} : memref<3x128x64xf32, #tpu.memory_space<vmem>>, vector<16xf32>,
          %sub3A = arith.subf %get3A_201, %get3A_241 : vector<16xf32>
          %abs3A = math.absf %sub3A : vector<16xf32>
          %sub3A_277 = arith.subf %get3A_206, %get3A_246 : vector<16xf32>
          %abs3A_278 = math.absf %sub3A_277 : vector<16xf32>
          %sub3A_279 = arith.subf %get3A_211, %get3A_251 : vector<16xf32>
          %abs3A_280 = math.absf %sub3A_279 : vector<16xf32>
          %sub3A_281 = arith.subf %get3A_216, %get3A_256 : vector<16xf32>
          %abs3A_282 = math.absf %sub3A_281 : vector<16xf32>
          %sub3A_283 = arith.subf %get3A_221, %get3A_261 : vector<16xf32>
          %abs3A_284 = math.absf %sub3A_283 : vector<16xf32>
          %sub3A_285 = arith.subf %get3A_226, %get3A_266 : vector<16xf32>
          %abs3A_286 = math.absf %sub3A_285 : vector<16xf32>
          %sub3A_287 = arith.subf %get3A_231, %get3A_271 : vector<16xf32>
          %abs3A_288 = math.absf %sub3A_287 : vector<16xf32>
          %sub3A_289 = arith.subf %get3A_236, %get3A_276 : vector<16xf32>
          %abs3A_290 = math.absf %sub3A_289 : vector<16xf32>
          %bitcast_convert_type3A = tpu.bitcast %abs3A : vector<16xf32> -> vector<16xi32>
          %shift_right_logical3A_291 = arith.constant 16 : i32
          %shift_right_logical3A_292 = vector.broadcast %shift_right_logical3A_291 : i32 to vector<16xi32>
          %shift_right_logical3A_293 = arith.shrui %bitcast_convert_type3A, %shift_right_logical3A_292 : vector<16xi32>
          %bitcast_convert_type3A_294 = tpu.bitcast %abs3A_278 : vector<16xf32> -> vector<16xi32>
          %shift_right_logical3A_295 = arith.constant 16 : i32
          %shift_right_logical3A_296 = vector.broadcast %shift_right_logical3A_295 : i32 to vector<16xi32>
          %shift_right_logical3A_297 = arith.shrui %bitcast_convert_type3A_294, %shift_right_logical3A_296 : vector<16xi32>
          %bitcast_convert_type3A_298 = tpu.bitcast %abs3A_280 : vector<16xf32> -> vector<16xi32>
          %shift_right_logical3A_299 = arith.constant 16 : i32
          %shift_right_logical3A_300 = vector.broadcast %shift_right_logical3A_299 : i32 to vector<16xi32>
          %shift_right_logical3A_301 = arith.shrui %bitcast_convert_type3A_298, %shift_right_logical3A_300 : vector<16xi32>
          %bitcast_convert_type3A_302 = tpu.bitcast %abs3A_282 : vector<16xf32> -> vector<16xi32>
          %shift_right_logical3A_303 = arith.constant 16 : i32
          %shift_right_logical3A_304 = vector.broadcast %shift_right_logical3A_303 : i32 to vector<16xi32>
          %shift_right_logical3A_305 = arith.shrui %bitcast_convert_type3A_302, %shift_right_logical3A_304 : vector<16xi32>
          %bitcast_convert_type3A_306 = tpu.bitcast %abs3A_284 : vector<16xf32> -> vector<16xi32>
          %shift_right_logical3A_307 = arith.constant 16 : i32
          %shift_right_logical3A_308 = vector.broadcast %shift_right_logical3A_307 : i32 to vector<16xi32>
          %shift_right_logical3A_309 = arith.shrui %bitcast_convert_type3A_306, %shift_right_logical3A_308 : vector<16xi32>
          %bitcast_convert_type3A_310 = tpu.bitcast %abs3A_286 : vector<16xf32> -> vector<16xi32>
          %shift_right_logical3A_311 = arith.constant 16 : i32
          %shift_right_logical3A_312 = vector.broadcast %shift_right_logical3A_311 : i32 to vector<16xi32>
          %shift_right_logical3A_313 = arith.shrui %bitcast_convert_type3A_310, %shift_right_logical3A_312 : vector<16xi32>
          %bitcast_convert_type3A_314 = tpu.bitcast %abs3A_288 : vector<16xf32> -> vector<16xi32>
          %shift_right_logical3A_315 = arith.constant 16 : i32
          %shift_right_logical3A_316 = vector.broadcast %shift_right_logical3A_315 : i32 to vector<16xi32>
          %shift_right_logical3A_317 = arith.shrui %bitcast_convert_type3A_314, %shift_right_logical3A_316 : vector<16xi32>
          %bitcast_convert_type3A_318 = tpu.bitcast %abs3A_290 : vector<16xf32> -> vector<16xi32>
          %shift_right_logical3A_319 = arith.constant 16 : i32
          %shift_right_logical3A_320 = vector.broadcast %shift_right_logical3A_319 : i32 to vector<16xi32>
          %shift_right_logical3A_321 = arith.shrui %bitcast_convert_type3A_318, %shift_right_logical3A_320 : vector<16xi32>
          tpu.vector_store_idx %arg7[%shift_right_logical3A_293], %broadcast_in_dim3A_85 {add = true} : memref<32768xi32, #tpu.memory_space<vmem>>[vector<16xi32>], vector<16xi32>,
          tpu.vector_store_idx %arg7[%shift_right_logical3A_297], %broadcast_in_dim3A_85 {add = true} : memref<32768xi32, #tpu.memory_space<vmem>>[vector<16xi32>], vector<16xi32>,
          tpu.vector_store_idx %arg7[%shift_right_logical3A_301], %broadcast_in_dim3A_85 {add = true} : memref<32768xi32, #tpu.memory_space<vmem>>[vector<16xi32>], vector<16xi32>,
          tpu.vector_store_idx %arg7[%shift_right_logical3A_305], %broadcast_in_dim3A_85 {add = true} : memref<32768xi32, #tpu.memory_space<vmem>>[vector<16xi32>], vector<16xi32>,
          tpu.vector_store_idx %arg7[%shift_right_logical3A_309], %broadcast_in_dim3A_85 {add = true} : memref<32768xi32, #tpu.memory_space<vmem>>[vector<16xi32>], vector<16xi32>,
          tpu.vector_store_idx %arg7[%shift_right_logical3A_313], %broadcast_in_dim3A_85 {add = true} : memref<32768xi32, #tpu.memory_space<vmem>>[vector<16xi32>], vector<16xi32>,
          tpu.vector_store_idx %arg7[%shift_right_logical3A_317], %broadcast_in_dim3A_85 {add = true} : memref<32768xi32, #tpu.memory_space<vmem>>[vector<16xi32>], vector<16xi32>,
          tpu.vector_store_idx %arg7[%shift_right_logical3A_321], %broadcast_in_dim3A_85 {add = true} : memref<32768xi32, #tpu.memory_space<vmem>>[vector<16xi32>], vector<16xi32>,
        }
        %scan3A_164 = arith.constant 64 : i32
      } else {
      }
    }
    %scan3A_90 = arith.constant 11 : i32
    "tpu.region"() ({
      %run_scoped3A = tpu.sem_alloc : memref<!tpu.dma_semaphore, #tpu.memory_space<semaphore_mem>>
      %dma_start3A_91 = arith.constant 0 : i32
      %dma_start3A_92 = tpu.memref_slice %arg4[%add3A, %dma_start3A_91] : memref<32x32768xi32, #tpu.memory_space<hbm>> -> memref<1x32768xi32, #tpu.memory_space<hbm>>
      %dma_start3A_93 = tpu.memref_squeeze %dma_start3A_92 : memref<1x32768xi32, #tpu.memory_space<hbm>> -> memref<32768xi32, #tpu.memory_space<hbm>>
      %dma_start3A_94 = arith.constant 0 : i32
      %dma_start3A_95 = tpu.memref_slice %arg4[%add3A, %dma_start3A_94] : memref<32x32768xi32, #tpu.memory_space<hbm>> -> memref<1x32768xi32, #tpu.memory_space<hbm>>
      %dma_start3A_96 = tpu.memref_squeeze %dma_start3A_95 : memref<1x32768xi32, #tpu.memory_space<hbm>> -> memref<32768xi32, #tpu.memory_space<hbm>>
      tpu.enqueue_dma source(%arg7 : memref<32768xi32, #tpu.memory_space<vmem>>) target(%dma_start3A_96 : memref<32768xi32, #tpu.memory_space<hbm>>) target_semaphore(%run_scoped3A : memref<!tpu.dma_semaphore, #tpu.memory_space<semaphore_mem>>)
      %dma_wait3A = arith.constant 0 : i32
      %dma_wait3A_97 = tpu.memref_slice %arg4[%add3A, %dma_wait3A] : memref<32x32768xi32, #tpu.memory_space<hbm>> -> memref<1x32768xi32, #tpu.memory_space<hbm>>
      %dma_wait3A_98 = tpu.memref_squeeze %dma_wait3A_97 : memref<1x32768xi32, #tpu.memory_space<hbm>> -> memref<32768xi32, #tpu.memory_space<hbm>>
      %dma_wait3A_99 = arith.constant 0 : i32
      %dma_wait3A_100 = tpu.memref_slice %arg4[%add3A, %dma_wait3A_99] : memref<32x32768xi32, #tpu.memory_space<hbm>> -> memref<1x32768xi32, #tpu.memory_space<hbm>>
      %dma_wait3A_101 = tpu.memref_squeeze %dma_wait3A_100 : memref<1x32768xi32, #tpu.memory_space<hbm>> -> memref<32768xi32, #tpu.memory_space<hbm>>
      tpu.wait_dma2 semaphore(%run_scoped3A : memref<!tpu.dma_semaphore, #tpu.memory_space<semaphore_mem>>) src(%arg7 : memref<32768xi32, #tpu.memory_space<vmem>>) dst(%dma_wait3A_101 : memref<32768xi32, #tpu.memory_space<hbm>>)
      tpu.yield
    }) : () -> ()
    return
  }
}

module attributes {stable_mosaic.version = 14 : i64} {
  func.func @_select_body(%arg0: memref<32x256x128xi32, #tpu.memory_space<vmem>>, %arg1: memref<1x1xf32, #tpu.memory_space<vmem>>) attributes {dimension_semantics = [], scalar_prefetch = 0 : i64, scratch_operands = 0 : i64, tpu.core_type = #tpu.core_type<tc>} {
    %get3A = arith.constant 0 : index
    %get3A_0 = arith.constant 0 : index
    %get3A_1 = arith.constant 0 : index
    %get3A_2 = vector.load %arg0[%get3A, %get3A_0, %get3A_1] : memref<32x256x128xi32, #tpu.memory_space<vmem>>, vector<32x256x128xi32>
    %convert_element_type3A = arith.sitofp %get3A_2 : vector<32x256x128xi32> to vector<32x256x128xf32>
    %reduce_sum3A = arith.constant dense<0.000000e+00> : vector<256x128xf32>
    %reduce_sum3A_3 = vector.multi_reduction <add>, %convert_element_type3A, %reduce_sum3A [0] : vector<32x256x128xf32> to vector<256x128xf32>
    %iota3A = tpu.iota {dimensions = array<i32: 0>} : vector<256x128xi32>
    %iota3A_4 = tpu.iota {dimensions = array<i32: 1>} : vector<256x128xi32>
    %mul3A = arith.constant 128 : i32
    %mul3A_5 = vector.broadcast %mul3A : i32 to vector<256x128xi32>
    %mul3A_6 = arith.muli %iota3A, %mul3A_5 : vector<256x128xi32>
    %add3A = arith.addi %mul3A_6, %iota3A_4 : vector<256x128xi32>
    %shift_left3A = arith.constant 16 : i32
    %shift_left3A_7 = vector.broadcast %shift_left3A : i32 to vector<256x128xi32>
    %shift_left3A_8 = arith.shli %add3A, %shift_left3A_7 : vector<256x128xi32>
    %or3A = arith.constant 32768 : i32
    %or3A_9 = vector.broadcast %or3A : i32 to vector<256x128xi32>
    %or3A_10 = arith.ori %shift_left3A_8, %or3A_9 : vector<256x128xi32>
    %bitcast_convert_type3A = tpu.bitcast %or3A_10 : vector<256x128xi32> -> vector<256x128xf32>
    %mul3A_11 = arith.mulf %reduce_sum3A_3, %bitcast_convert_type3A : vector<256x128xf32>
    %iota3A_12 = tpu.iota {dimensions = array<i32: 0>} : vector<128x128xi32>
    %iota3A_13 = tpu.iota {dimensions = array<i32: 1>} : vector<128x128xi32>
    %ge3A = arith.cmpi sge, %iota3A_12, %iota3A_13 : vector<128x128xi32>
    %convert_element_type3A_14 = arith.extui %ge3A : vector<128x128xi1> to vector<128x128xi32>
    %convert_element_type3A_15 = arith.sitofp %convert_element_type3A_14 : vector<128x128xi32> to vector<128x128xf32>
    %dot_general3A = arith.constant dense<0.000000e+00> : vector<256x128xf32>
    %dot_general3A_16 = tpu.matmul %reduce_sum3A_3, %convert_element_type3A_15, %dot_general3A {dimension_numbers = #tpu.dot_dimension_numbers<[1], [0], [0], [1], [0, 0, 1, 1], [], []>, transpose_lhs_hint = false} : vector<256x128xf32>, vector<128x128xf32>, vector<256x128xf32> -> vector<256x128xf32>
    %dot_general3A_17 = arith.constant dense<0.000000e+00> : vector<256x128xf32>
    %dot_general3A_18 = tpu.matmul %mul3A_11, %convert_element_type3A_15, %dot_general3A_17 {dimension_numbers = #tpu.dot_dimension_numbers<[1], [0], [0], [1], [0, 0, 1, 1], [], []>, transpose_lhs_hint = false} : vector<256x128xf32>, vector<128x128xf32>, vector<256x128xf32> -> vector<256x128xf32>
    %reduce_sum3A_19 = arith.constant dense<0.000000e+00> : vector<256xf32>
    %reduce_sum3A_20 = vector.multi_reduction <add>, %reduce_sum3A_3, %reduce_sum3A_19 [1] : vector<256x128xf32> to vector<256xf32>
    %broadcast_in_dim3A = vector.shape_cast %reduce_sum3A_20 : vector<256xf32> to vector<256x1xf32>
    %reduce_sum3A_21 = arith.constant dense<0.000000e+00> : vector<256xf32>
    %reduce_sum3A_22 = vector.multi_reduction <add>, %mul3A_11, %reduce_sum3A_21 [1] : vector<256x128xf32> to vector<256xf32>
    %broadcast_in_dim3A_23 = vector.shape_cast %reduce_sum3A_22 : vector<256xf32> to vector<256x1xf32>
    %iota3A_24 = tpu.iota {dimensions = array<i32: 0>} : vector<256x256xi32>
    %iota3A_25 = tpu.iota {dimensions = array<i32: 1>} : vector<256x256xi32>
    %gt3A = arith.cmpi sgt, %iota3A_25, %iota3A_24 : vector<256x256xi32>
    %convert_element_type3A_26 = arith.extui %gt3A : vector<256x256xi1> to vector<256x256xi32>
    %convert_element_type3A_27 = arith.sitofp %convert_element_type3A_26 : vector<256x256xi32> to vector<256x256xf32>
    %dot_general3A_28 = arith.constant dense<0.000000e+00> : vector<256x1xf32>
    %dot_general3A_29 = tpu.matmul %convert_element_type3A_27, %broadcast_in_dim3A, %dot_general3A_28 {dimension_numbers = #tpu.dot_dimension_numbers<[1], [0], [0], [1], [0, 0, 1, 1], [], []>, transpose_lhs_hint = false} : vector<256x256xf32>, vector<256x1xf32>, vector<256x1xf32> -> vector<256x1xf32>
    %dot_general3A_30 = arith.constant dense<0.000000e+00> : vector<256x1xf32>
    %dot_general3A_31 = tpu.matmul %convert_element_type3A_27, %broadcast_in_dim3A_23, %dot_general3A_30 {dimension_numbers = #tpu.dot_dimension_numbers<[1], [0], [0], [1], [0, 0, 1, 1], [], []>, transpose_lhs_hint = false} : vector<256x256xf32>, vector<256x1xf32>, vector<256x1xf32> -> vector<256x1xf32>
    %add3A_32 = vector.broadcast %dot_general3A_29 : vector<256x1xf32> to vector<256x128xf32>
    %add3A_33 = arith.addf %add3A_32, %dot_general3A_16 : vector<256x128xf32>
    %add3A_34 = vector.broadcast %dot_general3A_31 : vector<256x1xf32> to vector<256x128xf32>
    %add3A_35 = arith.addf %add3A_34, %dot_general3A_18 : vector<256x128xf32>
    %ge3A_36 = arith.constant 8.388600e+05 : f32
    %ge3A_37 = vector.broadcast %ge3A_36 : f32 to vector<256x128xf32>
    %ge3A_38 = arith.cmpf oge, %add3A_33, %ge3A_37 : vector<256x128xf32>
    %sub3A = arith.subf %add3A_33, %reduce_sum3A_3 : vector<256x128xf32>
    %lt3A = arith.constant 8.388600e+05 : f32
    %lt3A_39 = vector.broadcast %lt3A : f32 to vector<256x128xf32>
    %lt3A_40 = arith.cmpf olt, %sub3A, %lt3A_39 : vector<256x128xf32>
    %and3A = arith.andi %ge3A_38, %lt3A_40 : vector<256x128xi1>
    %convert_element_type3A_41 = arith.extui %and3A : vector<256x128xi1> to vector<256x128xi32>
    %convert_element_type3A_42 = arith.sitofp %convert_element_type3A_41 : vector<256x128xi32> to vector<256x128xf32>
    %mul3A_43 = arith.mulf %convert_element_type3A_42, %reduce_sum3A_3 : vector<256x128xf32>
    %reduce_sum3A_44 = vector.shape_cast %mul3A_43 : vector<256x128xf32> to vector<1x256x128xf32>
    %reduce_sum3A_45 = arith.constant dense<0.000000e+00> : vector<1xf32>
    %reduce_sum3A_46 = vector.multi_reduction <add>, %reduce_sum3A_44, %reduce_sum3A_45 [1, 2] : vector<1x256x128xf32> to vector<1xf32>
    %reduce_sum3A_47 = vector.shape_cast %reduce_sum3A_46 : vector<1xf32> to vector<1x1x1xf32>
    %reduce_sum3A_48 = vector.extract %reduce_sum3A_47[0, 0, 0] : f32 from vector<1x1x1xf32>
    %mul3A_49 = arith.mulf %convert_element_type3A_42, %mul3A_11 : vector<256x128xf32>
    %reduce_sum3A_50 = vector.shape_cast %mul3A_49 : vector<256x128xf32> to vector<1x256x128xf32>
    %reduce_sum3A_51 = arith.constant dense<0.000000e+00> : vector<1xf32>
    %reduce_sum3A_52 = vector.multi_reduction <add>, %reduce_sum3A_50, %reduce_sum3A_51 [1, 2] : vector<1x256x128xf32> to vector<1xf32>
    %reduce_sum3A_53 = vector.shape_cast %reduce_sum3A_52 : vector<1xf32> to vector<1x1x1xf32>
    %reduce_sum3A_54 = vector.extract %reduce_sum3A_53[0, 0, 0] : f32 from vector<1x1x1xf32>
    %mul3A_55 = arith.mulf %convert_element_type3A_42, %bitcast_convert_type3A : vector<256x128xf32>
    %reduce_sum3A_56 = vector.shape_cast %mul3A_55 : vector<256x128xf32> to vector<1x256x128xf32>
    %reduce_sum3A_57 = arith.constant dense<0.000000e+00> : vector<1xf32>
    %reduce_sum3A_58 = vector.multi_reduction <add>, %reduce_sum3A_56, %reduce_sum3A_57 [1, 2] : vector<1x256x128xf32> to vector<1xf32>
    %reduce_sum3A_59 = vector.shape_cast %reduce_sum3A_58 : vector<1xf32> to vector<1x1x1xf32>
    %reduce_sum3A_60 = vector.extract %reduce_sum3A_59[0, 0, 0] : f32 from vector<1x1x1xf32>
    %mul3A_61 = arith.mulf %convert_element_type3A_42, %add3A_33 : vector<256x128xf32>
    %reduce_sum3A_62 = vector.shape_cast %mul3A_61 : vector<256x128xf32> to vector<1x256x128xf32>
    %reduce_sum3A_63 = arith.constant dense<0.000000e+00> : vector<1xf32>
    %reduce_sum3A_64 = vector.multi_reduction <add>, %reduce_sum3A_62, %reduce_sum3A_63 [1, 2] : vector<1x256x128xf32> to vector<1xf32>
    %reduce_sum3A_65 = vector.shape_cast %reduce_sum3A_64 : vector<1xf32> to vector<1x1x1xf32>
    %reduce_sum3A_66 = vector.extract %reduce_sum3A_65[0, 0, 0] : f32 from vector<1x1x1xf32>
    %mul3A_67 = arith.mulf %convert_element_type3A_42, %add3A_35 : vector<256x128xf32>
    %reduce_sum3A_68 = vector.shape_cast %mul3A_67 : vector<256x128xf32> to vector<1x256x128xf32>
    %reduce_sum3A_69 = arith.constant dense<0.000000e+00> : vector<1xf32>
    %reduce_sum3A_70 = vector.multi_reduction <add>, %reduce_sum3A_68, %reduce_sum3A_69 [1, 2] : vector<1x256x128xf32> to vector<1xf32>
    %reduce_sum3A_71 = vector.shape_cast %reduce_sum3A_70 : vector<1xf32> to vector<1x1x1xf32>
    %reduce_sum3A_72 = vector.extract %reduce_sum3A_71[0, 0, 0] : f32 from vector<1x1x1xf32>
    %sub3A_73 = arith.subf %reduce_sum3A_66, %reduce_sum3A_48 : f32
    %sub3A_74 = arith.constant 8.388600e+05 : f32
    %sub3A_75 = arith.subf %sub3A_74, %sub3A_73 : f32
    %sub3A_76 = arith.subf %reduce_sum3A_72, %reduce_sum3A_54 : f32
    %mul3A_77 = arith.mulf %sub3A_75, %reduce_sum3A_60 : f32
    %add3A_78 = arith.addf %sub3A_76, %mul3A_77 : f32
    %div3A = arith.constant 8.388600e+05 : f32
    %div3A_79 = arith.divf %add3A_78, %div3A : f32
    %broadcast_in_dim3A_80 = vector.broadcast %div3A_79 : f32 to vector<1x1xf32>
    %swap3A = arith.constant 0 : index
    %swap3A_81 = arith.constant 0 : index
    %swap3A_82 = vector.load %arg1[%swap3A, %swap3A_81] : memref<1x1xf32, #tpu.memory_space<vmem>>, vector<1x1xf32>
    tpu.vector_store %arg1[%swap3A, %swap3A_81], %broadcast_in_dim3A_80 {strides = array<i32>} : memref<1x1xf32, #tpu.memory_space<vmem>>, vector<1x1xf32>,
    return
  }
}

</mosaic_0001>

<sc_bundles>
// kernel: kernel.4.cloned.1.call-start
scs
__scs_entry_jumppad:
0x0: {  	(pc) =	sbr.rel $0x88, $3  }
0x1: {  	(tag) =	ssettag $0x0;
	lr =	simm.s32 $0x1  }
0x2: {  	[smem:$0x3F9F] =	sst lr;
	_ =	strace $0xD0000000  }
0x3: {  	_ = 	snop  }
0x4: {  	_ = 	snop  }
0x5: {  	_ = 	snop  }
0x6: {  	_ = 	snop  }
0x7: {  	_ = 	snop  }
__scs_overlays_trampoline_lowered:
0x8: {  	[smem:$0x3FAE] =	sst s0  }
0x9: {  	[smem:$0x3FAF] =	sst s1  }
0xa: {  	[smem:$0x3FB0] =	sst s2  }
0xb: {  	[smem:$0x3FB1] =	sst s3  }
0xc: {  	[smem:$0x3FB2] =	sst s4  }
0xd: {  	[smem:$0x3FB3] =	sst s5  }
0xe: {  	[smem:$0x3FB4] =	sst s6  }
0xf: {  	[smem:$0x3FB5] =	sst s7  }
0x10: {  	[smem:$0x3FB6] =	sst s8  }
0x11: {  	[smem:$0x3FB7] =	sst s9;
	s0 =	simm.s32 @!p0 $0x0  }
0x12: {  	s1 =	sld [smem:$0x3F9D];
	s0 =	simm.s32 @p0 $0x1  }
0x13: {  	[smem:$0x3FB8] =	sst s0;
	s0 =	simm.s32 @!p1 $0x0  }
0x14: {  	s2 =	sld [smem:$0x3F9C];
	s0 =	simm.s32 @p1 $0x1  }
0x15: {  	[smem:$0x3FB9] =	sst s0;
	s0 =	simm.s32 @!p2 $0x0  }
0x16: {  	s3 =	sld [smem:$0x3FDB];
	s0 =	simm.s32 @p2 $0x1  }
0x17: {  	s4 =	simm.s32 $0x1BF5;
	[smem:$0x3FBB] =	sst s0  }
0x18: {  	s0 =	sld [smem:$0x3F9E];
	_ =	swait.ge [sflag:s4], $0x0  }
0x19: {  	s7 =	sld [smem:$0x3F9F]  }
0x1a: {  	s8 =	sadd.s32 $0xFFFFE003, lr  }
0x1b: {  	s9 =	sadd.s32 $0xFFFFFEF7, lr;
	s5 =	simm.s32 $0xFFFFFFFF;
	p2 =	slt.u32 s8, $0xFFFFF086  }
0x1c: {  	p1 =	slt.u32 s9, $0xF7A;
	s5 =	simm.s32 @!p2 $0x0  }
0x1d: {  	s5 =	simm.s32 @p1 $0x1;
	p0 =	seq.s32 s7, s2  }
0x1e: {  	s7 =	smul.u32 @!p0 $0xF7A, s2;
	p2 =	seq.s32 @!p0 s5, $0x0  }
0x1f: {  	s9 =	smul.u32 $0xF7A, s1;
	s8 =	simm.s32 @!p0 $0x1BF5;
	p2 =	por !p2, p0  }
0x20: {  	[sflag:s8] =	ssyncset.s32 @!p0 $0xFFFFF086;
	s6 =	sadd.s32 @!p0 s3, s7;
	s7 =	simm.s32 @!p0 $0x108  }
0x21: {  	s3 =	sadd.s32 s3, s9;
	s6 =	sadd.s32 @!p0 $0x88, s6;
	s7 =	simm.s32 @p2 $0x1082  }
0x22: {  	[simem:s7], [sflag:s8] =	dma.local @!p0 [hbm:s6], $0xF7A  }
0x23: {  	s9 =	sor.u32 $0xD0000000, s2;
	s6 =	simm.s32 $0x108;
	_ =	swait.ge @!p0 [sflag:s8], $0x0  }
0x24: {  	s3 =	sadd.s32 $0x88, s3;
	s6 =	simm.s32 @!p1 $0x1082;
	[sflag:s4] =	ssyncset.s32 $0xFFFFF086  }
0x25: {  	[simem:s6], [sflag:s4] =	dma.local [hbm:s3], $0xF7A  }
0x26: {  	[smem:$0x3F9F] =	sst s1;
	(tag) =	ssettag s2;
	_ =	strace s9  }
0x27: {  	s1 =	sld [smem:$0x3FAF]  }
0x28: {  	s2 =	sld [smem:$0x3FB0]  }
0x29: {  	s4 =	sld [smem:$0x3FB2]  }
0x2a: {  	p0 =	seq.s32 s5, $0x0;
	s5 =	sld [smem:$0x3FB3]  }
0x2b: {  	s6 =	sld [smem:$0x3FB4]  }
0x2c: {  	s7 =	sld [smem:$0x3FB5]  }
0x2d: {  	s3 =	simm.s32 $0x108;
	s8 =	sld [smem:$0x3FB6]  }
0x2e: {  	s3 =	simm.s32 @!p0 $0x1082;
	s9 =	sld [smem:$0x3FB7]  }
0x2f: {  	lr =	sadd.s32 s0, s3;
	s0 =	sld [smem:$0x3FAE]  }
0x30: {  	s3 =	sld [smem:$0x3FB1]  }
0x31: {  	[smem:$0x3FBA] =	sst s10  }
0x32: {  	s10 =	sld [smem:$0x3FB8];
	_ =	sdelay $0x3  }
0x33: {  	p0 =	seq.s32 s10, $0x1;
	s10 =	sld [smem:$0x3FBA];
	_ =	sdelay $0x3  }
0x34: {  	[smem:$0x3FBA] =	sst s10  }
0x35: {  	s10 =	sld [smem:$0x3FB9];
	_ =	sdelay $0x3  }
0x36: {  	p1 =	seq.s32 s10, $0x1;
	s10 =	sld [smem:$0x3FBA];
	_ =	sdelay $0x3  }
0x37: {  	[smem:$0x3FBA] =	sst s10  }
0x38: {  	s10 =	sld [smem:$0x3FBB]  }
0x39: {  	_ = 	snop;
	(pc) =	sbr.ind lr, $3  }
0x3a: {  	_ = 	snop  }
0x3b: {  	_ = 	snop  }
0x3c: {  	p2 =	seq.s32 s10, $0x1;
	s10 =	sld [smem:$0x3FBA]  }
0x3d: {  	_ =	shalt  }
0x3e: {  	_ =	shalt  }
0x3f: {  	_ =	shalt  }
0x40: {  	_ =	shalt  }
0x41: {  	_ =	shalt  }
0x42: {  	_ =	shalt  }
0x43: {  	_ =	shalt  }
0x44: {  	_ =	shalt  }
0x45: {  	_ =	shalt  }
0x46: {  	_ =	shalt  }
0x47: {  	_ =	shalt  }
0x48: {  	_ =	shalt  }
0x49: {  	_ =	shalt  }
0x4a: {  	_ =	shalt  }
0x4b: {  	_ =	shalt  }
0x4c: {  	_ =	shalt  }
0x4d: {  	_ =	shalt  }
0x4e: {  	_ =	shalt  }
0x4f: {  	_ =	shalt  }
0x50: {  	_ =	shalt  }
0x51: {  	_ =	shalt  }
0x52: {  	_ =	shalt  }
0x53: {  	_ =	shalt  }
0x54: {  	_ =	shalt  }
0x55: {  	_ =	shalt  }
0x56: {  	_ =	shalt  }
0x57: {  	_ =	shalt  }
0x58: {  	_ =	shalt  }
0x59: {  	_ =	shalt  }
0x5a: {  	_ =	shalt  }
0x5b: {  	_ =	shalt  }
0x5c: {  	_ =	shalt  }
0x5d: {  	_ =	shalt  }
0x5e: {  	_ =	shalt  }
0x5f: {  	_ =	shalt  }
0x60: {  	_ =	shalt  }
0x61: {  	_ =	shalt  }
0x62: {  	_ =	shalt  }
0x63: {  	_ =	shalt  }
0x64: {  	_ =	shalt  }
0x65: {  	_ =	shalt  }
0x66: {  	_ =	shalt  }
0x67: {  	_ =	shalt  }
0x68: {  	_ =	shalt  }
0x69: {  	_ =	shalt  }
0x6a: {  	_ =	shalt  }
0x6b: {  	_ =	shalt  }
0x6c: {  	_ =	shalt  }
0x6d: {  	_ =	shalt  }
0x6e: {  	_ =	shalt  }
0x6f: {  	_ =	shalt  }
0x70: {  	_ =	shalt  }
0x71: {  	_ =	shalt  }
0x72: {  	_ =	shalt  }
0x73: {  	_ =	shalt  }
0x74: {  	_ =	shalt  }
0x75: {  	_ =	shalt  }
0x76: {  	_ =	shalt  }
0x77: {  	_ =	shalt  }
0x78: {  	_ =	shalt  }
0x79: {  	_ =	shalt  }
0x7a: {  	_ =	shalt  }
0x7b: {  	_ =	shalt  }
0x7c: {  	_ =	shalt  }
0x7d: {  	_ =	shalt  }
0x7e: {  	_ =	shalt  }
0x7f: {  	_ =	shalt  }
0x80: {  	_ =	shalt  }
0x81: {  	_ =	shalt  }
0x82: {  	_ =	shalt  }
0x83: {  	_ =	shalt  }
0x84: {  	_ =	shalt  }
0x85: {  	_ =	shalt  }
0x86: {  	_ =	shalt  }
0x87: {  	_ =	shalt  }
.Lfunc_end0:
.L_simem_size_0:
called_computation_lowered:
.L_overlay_start_0:
0x88: {  	s2 =	sld [smem:$0x3FD9]  }
0x89: {  	s3 =	sld [smem:$0x3FFE];
	_ =	sdelay $0x1  }
0x8a: {  	s1 =	srdreg.scid  }
0x8b: {  	s0 =	sand.u32 $0x1, s1  }
0x8c: {  	s16 =	sshll.u32 s0, $0xA;
	s2 =	sadd.s32 s3, s2  }
0x8d: {  	s2 =	sadd.s32 s2, s16  }
0x8e: {  	[smem:$0x3FC6] =	sst s2  }
0x8f: {  	_ = 	snop  }
0x90: {  	(tm) =	ssettm $0x1  }
0x91: {  	s17 =	sld [smem:$0x3FFB];
	_ =	sdelay $0x3  }
0x92: {  	_ =	strace s17  }
0x93: {  	s2 =	sld [smem:$0x3FFC];
	_ =	sdelay $0x3  }
0x94: {  	_ =	strace s2  }
0x95: {  	s2 =	sld [smem:$0x3FFD];
	_ =	sdelay $0x3  }
0x96: {  	_ =	strace s2  }
0x97: {  	_ =	strace $0x8FFFFFFF  }
0x98: {  	s18 =	sld [smem:$0x3FDB];
	_ =	sdelay $0x1  }
0x99: {  	s19 =	simm.s32 $_scs_section_size  }
0x9a: {  	s4 =	simm.s32 $_size__tile_overlayer_lowered;
	s5 =	simm.s32 $_tile_overlayer_lowered  }
0x9b: {  	s22 =	simm.s32 $0x1BFF;
	s21 =	sshll.u32 s5, $0x1;
	s2 =	sadd.s32 s19, s18  }
0x9c: {  	s6 =	simm.s32 $0x0;
	s20 =	sshll.u32 s4, $0x1;
	s4 =	sadd.s32 s21, s2  }
0x9d: {  	[timem:s6], [sflag:s22] =	dma.local [hbm:s4], s20  }
0x9e: {  	_ =	swait.ge [sflag:s22], s20  }
0x9f: {  	s3 =	ssub.s32 $0x0, s20;
	[sflag:s22] =	ssyncset.done $0x0  }
0xa0: {  	[sflag:s22] =	ssyncadd.s32 s3;
	_ =	sdelay $0x1  }
0xa1: {  	s23 =	simm.s32 $0x1B8B  }
0xa2: {  	_ =	swait.ge [sflag:s23], $0x1  }
0xa3: {  	[sflag:s23] =	ssyncset.done $0x0  }
0xa4: {  	s25 =	simm.s32 $0x1B8E;
	s24 =	sld [smem:$0x3FFE];
	[sflag:s23] =	ssyncadd.s32 $0xFFFFFFFF  }
0xa5: {  	s26 =	simm.s32 $execute0_lowered;
	[smem:$0x3FD2] =	sst s25  }
0xa6: {  	s4 =	sshll.u32 s26, $0x1;
	_ =	strace $0x80000046;
	[dreg:$0x1] =	wrdreg $0xFFFFFFFF  }
0xa7: {  	s28 =	simm.s32 $_size_execute0_lowered;
	s2 =	sadd.s32 s2, s4;
	[dreg:$0x0] =	wrdreg $0x0  }
0xa8: {  	s4 =	sshll.u32 s28, $0x1;
	[dreg:$0x2] =	wrdreg s2  }
0xa9: {  	[dreg:$0x3] =	wrdreg s4  }
0xaa: {  	[dreg:$0x4] =	wrdreg $0xC0  }
0xab: {  	_ =	task [dreg:s6], $0x5FFFF  }
0xac: {  	[dreg:$0x1] =	wrdreg $0xFFFFFFFF  }
0xad: {  	[dreg:$0x0] =	wrdreg $0x60  }
0xae: {  	[dreg:$0x2] =	wrdreg s24  }
0xaf: {  	[dreg:$0x3] =	wrdreg $0x9  }
0xb0: {  	_ =	task.clear_ibuf [dreg:s6], $0x4FFFF;
	_ =	strace $0x90000046  }
0xb1: {  	s29 =	simm.s32 $0x9;
	_ =	strace $0x80000048  }
0xb2: {  	_ =	swait.ge [sflag:s29], $0x1  }
0xb3: {  	[sflag:s29] =	ssyncadd.s32 $0xFFFFFFFF  }
0xb4: {  	_ =	strace $0x90000048  }
0xb5: {  	_ =	sfence  }
0xb6: {  	s30 =	sld [smem:$0x0];
	_ =	sdelay $0x2  }
0xb7: {  	s31 =	sshll.u32 s1, $0xD;
	s1 =	sshrl.u32 s1, $0x2  }
0xb8: {  	s3 =	sand.u32 $0x4000, s31;
	s1 =	sadd.s32 s1, s30  }
0xb9: {  	s0 =	sor.u32 s3, s0;
	s1 =	sshll.u32 s1, $0x11  }
0xba: {  	s0 =	sor.u32 s1, s0  }
0xbb: {  	s0 =	sadd.s32 $0x8F2B, s0  }
0xbc: {  	[sflag:s0] =	ssyncadd.remote.s32 $0x1  }
0xbd: {  	_ =	sfence.sel $0xFFFF  }
0xbe: {  	[dreg:$0x0] =	wrdreg $0xFFFFFFFF;
	(pc) =	sbr.abs _section_cstart, $3  }
0xbf: {  	[dreg:$0x1] =	wrdreg $0xFFFFFFFF  }
0xc0: {  	_ =	task.clear_ibuf [dreg:s6], $0x2FFFF;
	_ =	strace $0x9FFFFFFF  }
0xc1: {  	(tm) =	ssettm $0x7FFFFFFF  }
tec
execute0_lowered:
.L_overlay_start_1:
0x0: {  	(tag) =	ssettag $0x1  }
0x1: {  	s0 =	rddreg [dreg:$0x0]  }
0x2: {  	s2 =	simm.s32 $0x0;
	s1 =	stileid.u32;
	s5 =	srdreg.scid  }
0x3: {  	s15 =	simm.s32 $0x4000;
	s16 =	simm.s32 $0x10000;
	s17 =	simm.s32 $0x1  }
0x4: {  	s18 =	simm.s32 $0x4;
	s19 =	simm.s32 $0x18000;
	s20 =	simm.s32 $0x2  }
0x5: {  	s21 =	simm.s32 $0x5;
	s22 =	simm.s32 $0x80;
	s23 =	simm.s32 $0x400  }
0x6: {  	s24 =	simm.s32 $0x7;
	s25 =	simm.s32 $0x3;
	s26 =	simm.s32 $0x6  }
0x7: {  	s28 =	simm.s32 $0x0;
	[smem:$0x7FF] =	sst s2;
	s3 =	sadd.s32 $0x400, s0  }
0x8: {  	s4 =	sadd.s32 $0x200400, s0;
	s6 =	sshll.u32 s1, $0xD;
	s5 =	sand.u32 $0x1, s5  }
0x9: {  	s8 =	sshll.u32 s1, $0x1;
	_ =	strace $0x80000047;
	s6 =	sand.u32 $0x18000, s6  }
0xa: {  	s7 =	ssub.s32 $0x2, s5;
	s8 =	sor.u32 s5, s8;
	s0 =	sadd.s32 s6, s0  }
0xb: {  	s30 =	sshrl.u32 s7, $0x1;
	s11 =	sshll.u32 s8, $0x5;
	s31 =	sshll.u32 s8, $0x10  }
.Ltmp0:
0xc: {  	s8 =	sshll.u32 s8, $0x4;
	s13 =	ssub.s32 s7, s30;
	(pc) =	sbr.rel .LBB2_1-.Ltmp0, $4  }
0xd: {  	s5 =	sadd.s32 s3, s31;
	s9 =	sor.u32 $0x800, s31;
	s6 =	sadd.s32 s4, s31  }
0xe: {  	s10 =	sand.u32 $0x70, s8;
	s7 =	sadd.s32 s3, s9;
	s8 =	sadd.s32 s4, s9  }
0xf: {  	s9 =	sor.u32 $0x2, s11;
	s0 =	sadd.s32 s10, s0;
	s10 =	sor.u32 $0x3, s11  }
0x10: {  	v0 =	vimm.s32 $0x0;
	v1 =	vimm.s32 $0x1;
	s11 =	sor.u32 $0x4, s11;
	s13 =	smax.u32 s13, $0x1;
	s12 =	sadd.s32 $0x400400, s0  }
.LBB2_12:
0x11: {  	s28 =	sadd.s32 $0x1, s28  }
0x12: {  	p0 =	sne.s32 s28, s13  }
.Ltmp1:
0x13: {  	_ = 	snop;
	(pc) =	sbr.rel @!p0 .LBB2_13-.Ltmp1, $4  }
0x14: {  	[hbm4b:s12+s22] =	stream.strided.scatter [tilespmem:s19], [sflag:$0x7], $0x8000, s23, s22, $0x38;
	v63 =	vld [tilespmem:$0x0]  }
0x15: {  	_ =	swait.ge [sflag:s24], $0x8000  }
0x16: {  	[sflag:s24] =	ssyncset.done $0x0  }
0x17: {  	[sflag:s24] =	ssyncadd.s32 $0xFFFF8000  }
.LBB2_1:
0x18: {  	[tilespmem:s2], [sflag:$0x1] =	stream.linear.gather [hbm4b:s5+s2], $0x4000, $0x38;
	v63 =	vld [tilespmem:$0x0]  }
0x19: {  	s0 =	simm.s32 $0xC000  }
0x1a: {  	[tilespmem:s0], [sflag:$0x4] =	stream.linear.gather [hbm4b:s6+s2], $0x4000, $0x38;
	v63 =	vld [tilespmem:$0x0]  }
0x1b: {  	_ = 	snop  }
0x1c: {  	[tilespmem:s15], [sflag:$0x2] =	stream.linear.gather [hbm4b:s7+s2], $0x4000, $0x38;
	v63 =	vld [tilespmem:$0x0]  }
0x1d: {  	s29 =	simm.s32 $0x0;
	s0 =	simm.s32 $0x40  }
0x1e: {  	[tilespmem:s16], [sflag:$0x5] =	stream.linear.gather [hbm4b:s8+s2], $0x4000, $0x38;
	v63 =	vld [tilespmem:$0x0]  }
.LBB2_2:
0x1f: {  	p0 =	sne.s32 s0, $0x1FFC0;
	[tilespmem:s29+$0x18000] =	vst v0;
	s29 =	smov.u32 s0;
	s0 =	sadd.s32 $0x40, s0  }
.Ltmp2:
0x20: {  	(pc) =	sbr.rel @p0 .LBB2_2-.Ltmp2, $2  }
0x21: {  	_ =	sdelay $0x2  }
0x22: {  	s29 =	sshra.s32 s29, $0x2  }
0x23: {  	[tilespmem:s29+$0x18000] =	vst v0;
	s29 =	simm.s32 $0x0  }
.LBB2_4:
0x24: {  	s30 =	smul.u32 $0x3, s29  }
0x25: {  	p0 =	seq.s32 s29, $0xA  }
0x26: {  	s0 =	sadd.s32 @!p0 s30, s9  }
0x27: {  	s0 =	sshll.u32 @!p0 s0, $0xB  }
0x28: {  	s0 =	sand.u32 @!p0 $0xFFFF800, s0  }
0x29: {  	s1 =	simm.s32 @!p0 $0x0;
	s14 =	simm.s32 @!p0 $0x8000;
	s31 =	sadd.s32 @!p0 s3, s0  }
0x2a: {  	[tilespmem:s14], [sflag:$0x3] =	stream.linear.gather @!p0 [hbm4b:s31+s1], $0x4000, $0x38;
	v63 =	vld [tilespmem:$0x0]  }
0x2b: {  	s0 =	sadd.s32 @!p0 s4, s0;
	s14 =	simm.s32 @!p0 $0x14000  }
0x2c: {  	[tilespmem:s14], [sflag:$0x6] =	stream.linear.gather @!p0 [hbm4b:s0+s1], $0x4000, $0x38;
	v63 =	vld [tilespmem:$0x0]  }
0x2d: {  	_ =	swait.ge [sflag:s17], $0x4000  }
0x2e: {  	[sflag:s17] =	ssyncset.done $0x0  }
0x2f: {  	[sflag:s17] =	ssyncadd.s32 $0xFFFFC000  }
0x30: {  	_ =	swait.ge [sflag:s18], $0x4000  }
0x31: {  	[sflag:s18] =	ssyncset.done $0x0  }
0x32: {  	s31 =	simm.s32 $0x0;
	[sflag:s18] =	ssyncadd.s32 $0xFFFFC000  }
0x33: {  	v7 =	vld [tilespmem:s31+$0x80]  }
0x34: {  	v2 =	vld [tilespmem:s31+$0x30]  }
0x35: {  	v8 =	vld [tilespmem:s31+$0xC030]  }
0x36: {  	v9 =	vld [tilespmem:s31+$0xC080]  }
0x37: {  	v3 =	vld [tilespmem:s31+$0xC020]  }
0x38: {  	v4 =	vld [tilespmem:s31+$0xC010]  }
0x39: {  	v5 =	vld [tilespmem:s31+$0x10]  }
0x3a: {  	v6 =	vld [tilespmem:s31+$0x0]  }
0x3b: {  	s0 =	simm.s32 $0x400;
	v2 =	vsub.f32 v2, v8;
	v8 =	vld [tilespmem:s31+$0xC000];
	v7 =	vsub.f32 v7, v9  }
.LBB2_5:
0x3c: {  	p1 =	sne.s32 s0, $0xFC00;
	v9 =	vld [tilespmem:s31+$0x20];
	s1 =	smov.u32 s0;
	s0 =	sadd.s32 $0x400, s0  }
0x3d: {  	v10 =	vld [tilespmem:s31+$0xC0B0];
	v7 =	vand.u32 $0x7FFFFFFF, v7  }
0x3e: {  	v11 =	vld [tilespmem:s31+$0xC0A0];
	v4 =	vsub.f32 v5, v4  }
0x3f: {  	v5 =	vld [tilespmem:s31+$0xC090]  }
0x40: {  	v12 =	vld [tilespmem:s31+$0x90];
	v6 =	vsub.f32 v6, v8;
	v4 =	vand.u32 $0x7FFFFFFF, v4  }
0x41: {  	v8 =	vld [tilespmem:s31+$0xA0];
	v3 =	vsub.f32 v9, v3  }
0x42: {  	v9 =	vld [tilespmem:s31+$0xB0];
	v6 =	vand.u32 $0x7FFFFFFF, v6  }
0x43: {  	v4 =	vshrl.u32 v4, $0x10;
	v3 =	vand.u32 $0x7FFFFFFF, v3;
	v6 =	vshrl.u32 v6, $0x10  }
0x44: {  	s31 =	sshra.s32 s1, $0x2;
	v3 =	vshrl.u32 v3, $0x10  }
0x45: {  	v2 =	vand.u32 $0x7FFFFFFF, v2;
	v5 =	vsub.f32 v12, v5  }
0x46: {  	v2 =	vshrl.u32 v2, $0x10;
	v8 =	vsub.f32 v8, v11  }
0x47: {  	v7 =	vshrl.u32 v7, $0x10;
	v5 =	vand.u32 $0x7FFFFFFF, v5;
	v9 =	vsub.f32 v9, v10  }
0x48: {  	v8 =	vand.u32 $0x7FFFFFFF, v8;
	v5 =	vshrl.u32 v5, $0x10;
	[tilespmem:v6+s19+$0x0] =	vst.idx.add.s32.msk $0xffff, v1  }
0x49: {  	v6 =	vand.u32 $0x7FFFFFFF, v9;
	v8 =	vshrl.u32 v8, $0x10;
	[tilespmem:v4+s19+$0x0] =	vst.idx.add.s32.msk $0xffff, v1  }
0x4a: {  	v4 =	vshrl.u32 v6, $0x10;
	[tilespmem:v3+s19+$0x0] =	vst.idx.add.s32.msk $0xffff, v1  }
0x4b: {  	[tilespmem:v2+s19+$0x0] =	vst.idx.add.s32.msk $0xffff, v1  }
0x4c: {  	[tilespmem:v7+s19+$0x0] =	vst.idx.add.s32.msk $0xffff, v1  }
0x4d: {  	[tilespmem:v5+s19+$0x0] =	vst.idx.add.s32.msk $0xffff, v1  }
0x4e: {  	[tilespmem:v8+s19+$0x0] =	vst.idx.add.s32.msk $0xffff, v1  }
0x4f: {  	[tilespmem:v4+s19+$0x0] =	vst.idx.add.s32.msk $0xffff, v1  }
0x50: {  	v7 =	vld [tilespmem:s31+$0x80]  }
0x51: {  	v2 =	vld [tilespmem:s31+$0x30]  }
0x52: {  	v8 =	vld [tilespmem:s31+$0xC030]  }
0x53: {  	v9 =	vld [tilespmem:s31+$0xC080]  }
.Ltmp3:
0x54: {  	v3 =	vld [tilespmem:s31+$0xC020];
	(pc) =	sbr.rel @p1 .LBB2_5-.Ltmp3, $4  }
0x55: {  	v4 =	vld [tilespmem:s31+$0xC010]  }
0x56: {  	v5 =	vld [tilespmem:s31+$0x10]  }
0x57: {  	v6 =	vld [tilespmem:s31+$0x0];
	v2 =	vsub.f32 v2, v8  }
0x58: {  	v8 =	vld [tilespmem:s31+$0xC000];
	v7 =	vsub.f32 v7, v9  }
0x59: {  	v9 =	vld [tilespmem:s31+$0x20]  }
0x5a: {  	v10 =	vld [tilespmem:s31+$0xC0B0]  }
0x5b: {  	v11 =	vld [tilespmem:s31+$0xC0A0]  }
0x5c: {  	v12 =	vld [tilespmem:s31+$0xC090]  }
0x5d: {  	v6 =	vsub.f32 v6, v8;
	v8 =	vld [tilespmem:s31+$0x90]  }
0x5e: {  	v4 =	vsub.f32 v5, v4;
	v5 =	vld [tilespmem:s31+$0xA0]  }
0x5f: {  	v3 =	vsub.f32 v9, v3;
	v9 =	vld [tilespmem:s31+$0xB0];
	v6 =	vand.u32 $0x7FFFFFFF, v6  }
0x60: {  	v4 =	vand.u32 $0x7FFFFFFF, v4;
	v6 =	vshrl.u32 v6, $0x10  }
0x61: {  	v4 =	vshrl.u32 v4, $0x10;
	v3 =	vand.u32 $0x7FFFFFFF, v3  }
0x62: {  	v2 =	vand.u32 $0x7FFFFFFF, v2;
	v3 =	vshrl.u32 v3, $0x10;
	v8 =	vsub.f32 v8, v12  }
0x63: {  	v7 =	vand.u32 $0x7FFFFFFF, v7;
	v2 =	vshrl.u32 v2, $0x10;
	v5 =	vsub.f32 v5, v11  }
0x64: {  	v7 =	vshrl.u32 v7, $0x10;
	v9 =	vsub.f32 v9, v10;
	v8 =	vand.u32 $0x7FFFFFFF, v8  }
0x65: {  	v5 =	vand.u32 $0x7FFFFFFF, v5;
	v8 =	vshrl.u32 v8, $0x10;
	[tilespmem:v6+s19+$0x0] =	vst.idx.add.s32.msk $0xffff, v1  }
0x66: {  	v5 =	vshrl.u32 v5, $0x10;
	v6 =	vand.u32 $0x7FFFFFFF, v9;
	[tilespmem:v4+s19+$0x0] =	vst.idx.add.s32.msk $0xffff, v1  }
0x67: {  	v4 =	vshrl.u32 v6, $0x10;
	[tilespmem:v3+s19+$0x0] =	vst.idx.add.s32.msk $0xffff, v1  }
0x68: {  	[tilespmem:v2+s19+$0x0] =	vst.idx.add.s32.msk $0xffff, v1  }
0x69: {  	s0 =	sadd.s32 @!p0 s30, s10;
	[tilespmem:v7+s19+$0x0] =	vst.idx.add.s32.msk $0xffff, v1  }
0x6a: {  	s0 =	sshll.u32 @!p0 s0, $0xB;
	[tilespmem:v8+s19+$0x0] =	vst.idx.add.s32.msk $0xffff, v1  }
0x6b: {  	s0 =	sand.u32 @!p0 $0xFFFF800, s0;
	[tilespmem:v5+s19+$0x0] =	vst.idx.add.s32.msk $0xffff, v1  }
0x6c: {  	s14 =	simm.s32 @!p0 $0x0;
	s1 =	sadd.s32 @!p0 s3, s0;
	[tilespmem:v4+s19+$0x0] =	vst.idx.add.s32.msk $0xffff, v1  }
0x6d: {  	[tilespmem:s14], [sflag:$0x1] =	stream.linear.gather @!p0 [hbm4b:s1+s14], $0x4000, $0x38;
	v63 =	vld [tilespmem:$0x0]  }
0x6e: {  	s0 =	sadd.s32 @!p0 s4, s0;
	s1 =	simm.s32 @!p0 $0xC000  }
0x6f: {  	[tilespmem:s1], [sflag:$0x4] =	stream.linear.gather @!p0 [hbm4b:s0+s14], $0x4000, $0x38;
	v63 =	vld [tilespmem:$0x0]  }
0x70: {  	_ =	swait.ge [sflag:s20], $0x4000  }
0x71: {  	[sflag:s20] =	ssyncset.done $0x0  }
0x72: {  	[sflag:s20] =	ssyncadd.s32 $0xFFFFC000  }
0x73: {  	_ =	swait.ge [sflag:s21], $0x4000  }
0x74: {  	[sflag:s21] =	ssyncset.done $0x0  }
0x75: {  	s31 =	simm.s32 $0x0;
	[sflag:s21] =	ssyncadd.s32 $0xFFFFC000  }
0x76: {  	v7 =	vld [tilespmem:s31+$0x4080]  }
0x77: {  	v2 =	vld [tilespmem:s31+$0x4030]  }
0x78: {  	v8 =	vld [tilespmem:s31+$0x10030]  }
0x79: {  	v9 =	vld [tilespmem:s31+$0x10080]  }
0x7a: {  	v3 =	vld [tilespmem:s31+$0x10020]  }
0x7b: {  	v4 =	vld [tilespmem:s31+$0x10010]  }
0x7c: {  	v5 =	vld [tilespmem:s31+$0x4010]  }
0x7d: {  	v6 =	vld [tilespmem:s31+$0x4000]  }
0x7e: {  	s0 =	simm.s32 $0x400;
	v2 =	vsub.f32 v2, v8;
	v8 =	vld [tilespmem:s31+$0x10000];
	v7 =	vsub.f32 v7, v9  }
.LBB2_7:
0x7f: {  	p1 =	sne.s32 s0, $0xFC00;
	v9 =	vld [tilespmem:s31+$0x4020];
	s1 =	smov.u32 s0;
	s0 =	sadd.s32 $0x400, s0  }
0x80: {  	v10 =	vld [tilespmem:s31+$0x100B0];
	v7 =	vand.u32 $0x7FFFFFFF, v7  }
0x81: {  	v11 =	vld [tilespmem:s31+$0x100A0];
	v4 =	vsub.f32 v5, v4  }
0x82: {  	v5 =	vld [tilespmem:s31+$0x10090]  }
0x83: {  	v12 =	vld [tilespmem:s31+$0x4090];
	v6 =	vsub.f32 v6, v8;
	v4 =	vand.u32 $0x7FFFFFFF, v4  }
0x84: {  	v8 =	vld [tilespmem:s31+$0x40A0];
	v3 =	vsub.f32 v9, v3  }
0x85: {  	v9 =	vld [tilespmem:s31+$0x40B0];
	v6 =	vand.u32 $0x7FFFFFFF, v6  }
0x86: {  	v4 =	vshrl.u32 v4, $0x10;
	v3 =	vand.u32 $0x7FFFFFFF, v3;
	v6 =	vshrl.u32 v6, $0x10  }
0x87: {  	s31 =	sshra.s32 s1, $0x2;
	v3 =	vshrl.u32 v3, $0x10  }
0x88: {  	v2 =	vand.u32 $0x7FFFFFFF, v2;
	v5 =	vsub.f32 v12, v5  }
0x89: {  	v2 =	vshrl.u32 v2, $0x10;
	v8 =	vsub.f32 v8, v11  }
0x8a: {  	v7 =	vshrl.u32 v7, $0x10;
	v5 =	vand.u32 $0x7FFFFFFF, v5;
	v9 =	vsub.f32 v9, v10  }
0x8b: {  	v8 =	vand.u32 $0x7FFFFFFF, v8;
	v5 =	vshrl.u32 v5, $0x10;
	[tilespmem:v6+s19+$0x0] =	vst.idx.add.s32.msk $0xffff, v1  }
0x8c: {  	v6 =	vand.u32 $0x7FFFFFFF, v9;
	v8 =	vshrl.u32 v8, $0x10;
	[tilespmem:v4+s19+$0x0] =	vst.idx.add.s32.msk $0xffff, v1  }
0x8d: {  	v4 =	vshrl.u32 v6, $0x10;
	[tilespmem:v3+s19+$0x0] =	vst.idx.add.s32.msk $0xffff, v1  }
0x8e: {  	[tilespmem:v2+s19+$0x0] =	vst.idx.add.s32.msk $0xffff, v1  }
0x8f: {  	[tilespmem:v7+s19+$0x0] =	vst.idx.add.s32.msk $0xffff, v1  }
0x90: {  	[tilespmem:v5+s19+$0x0] =	vst.idx.add.s32.msk $0xffff, v1  }
0x91: {  	[tilespmem:v8+s19+$0x0] =	vst.idx.add.s32.msk $0xffff, v1  }
0x92: {  	[tilespmem:v4+s19+$0x0] =	vst.idx.add.s32.msk $0xffff, v1  }
0x93: {  	v7 =	vld [tilespmem:s31+$0x4080]  }
0x94: {  	v2 =	vld [tilespmem:s31+$0x4030]  }
0x95: {  	v8 =	vld [tilespmem:s31+$0x10030]  }
0x96: {  	v9 =	vld [tilespmem:s31+$0x10080]  }
.Ltmp4:
0x97: {  	v3 =	vld [tilespmem:s31+$0x10020];
	(pc) =	sbr.rel @p1 .LBB2_7-.Ltmp4, $4  }
0x98: {  	v4 =	vld [tilespmem:s31+$0x10010]  }
0x99: {  	v5 =	vld [tilespmem:s31+$0x4010]  }
0x9a: {  	v6 =	vld [tilespmem:s31+$0x4000];
	v2 =	vsub.f32 v2, v8  }
0x9b: {  	v8 =	vld [tilespmem:s31+$0x10000];
	v7 =	vsub.f32 v7, v9  }
0x9c: {  	v9 =	vld [tilespmem:s31+$0x4020]  }
0x9d: {  	v10 =	vld [tilespmem:s31+$0x100B0]  }
0x9e: {  	v11 =	vld [tilespmem:s31+$0x100A0]  }
0x9f: {  	v12 =	vld [tilespmem:s31+$0x10090]  }
0xa0: {  	v58 =	vld [tilespmem:s31+$0x4090];
	v6 =	vsub.f32 v6, v8  }
0xa1: {  	v59 =	vld [tilespmem:s31+$0x40A0];
	v4 =	vsub.f32 v5, v4  }
0xa2: {  	v60 =	vld [tilespmem:s31+$0x40B0];
	v3 =	vsub.f32 v9, v3;
	v6 =	vand.u32 $0x7FFFFFFF, v6  }
0xa3: {  	v4 =	vand.u32 $0x7FFFFFFF, v4;
	v6 =	vshrl.u32 v6, $0x10  }
0xa4: {  	v4 =	vshrl.u32 v4, $0x10;
	v3 =	vand.u32 $0x7FFFFFFF, v3  }
0xa5: {  	v2 =	vand.u32 $0x7FFFFFFF, v2;
	v8 =	vsub.f32 v58, v12;
	v3 =	vshrl.u32 v3, $0x10  }
0xa6: {  	v7 =	vand.u32 $0x7FFFFFFF, v7;
	v2 =	vshrl.u32 v2, $0x10;
	v5 =	vsub.f32 v59, v11  }
0xa7: {  	v7 =	vshrl.u32 v7, $0x10;
	v9 =	vsub.f32 v60, v10;
	v8 =	vand.u32 $0x7FFFFFFF, v8  }
0xa8: {  	v5 =	vand.u32 $0x7FFFFFFF, v5;
	v8 =	vshrl.u32 v8, $0x10;
	[tilespmem:v6+s19+$0x0] =	vst.idx.add.s32.msk $0xffff, v1  }
0xa9: {  	v61 =	vand.u32 $0x7FFFFFFF, v9;
	v5 =	vshrl.u32 v5, $0x10;
	[tilespmem:v4+s19+$0x0] =	vst.idx.add.s32.msk $0xffff, v1  }
0xaa: {  	v62 =	vshrl.u32 v61, $0x10;
	[tilespmem:v3+s19+$0x0] =	vst.idx.add.s32.msk $0xffff, v1  }
.Ltmp5:
0xab: {  	[tilespmem:v2+s19+$0x0] =	vst.idx.add.s32.msk $0xffff, v1;
	(pc) =	sbr.rel @p0 .LBB2_12-.Ltmp5, $4  }
0xac: {  	[tilespmem:v7+s19+$0x0] =	vst.idx.add.s32.msk $0xffff, v1  }
0xad: {  	[tilespmem:v8+s19+$0x0] =	vst.idx.add.s32.msk $0xffff, v1  }
0xae: {  	[tilespmem:v5+s19+$0x0] =	vst.idx.add.s32.msk $0xffff, v1  }
0xaf: {  	[tilespmem:v62+s19+$0x0] =	vst.idx.add.s32.msk $0xffff, v1  }
0xb0: {  	s0 =	sadd.s32 s30, s11  }
0xb1: {  	s0 =	sshll.u32 s0, $0xB  }
0xb2: {  	s0 =	sand.u32 $0xFFFF800, s0  }
0xb3: {  	s14 =	simm.s32 $0x0;
	s1 =	sadd.s32 s3, s0  }
0xb4: {  	[tilespmem:s15], [sflag:$0x2] =	stream.linear.gather [hbm4b:s1+s14], $0x4000, $0x38;
	v63 =	vld [tilespmem:$0x0]  }
0xb5: {  	s0 =	sadd.s32 s4, s0  }
0xb6: {  	[tilespmem:s16], [sflag:$0x5] =	stream.linear.gather [hbm4b:s0+s14], $0x4000, $0x38;
	v63 =	vld [tilespmem:$0x0]  }
0xb7: {  	_ =	swait.ge [sflag:s25], $0x4000  }
0xb8: {  	[sflag:s25] =	ssyncset.done $0x0  }
0xb9: {  	[sflag:s25] =	ssyncadd.s32 $0xFFFFC000  }
0xba: {  	_ =	swait.ge [sflag:s26], $0x4000  }
0xbb: {  	[sflag:s26] =	ssyncset.done $0x0  }
0xbc: {  	s30 =	simm.s32 $0x0;
	[sflag:s26] =	ssyncadd.s32 $0xFFFFC000  }
0xbd: {  	v7 =	vld [tilespmem:s30+$0x8080]  }
0xbe: {  	v2 =	vld [tilespmem:s30+$0x8030]  }
0xbf: {  	v8 =	vld [tilespmem:s30+$0x14030]  }
0xc0: {  	v9 =	vld [tilespmem:s30+$0x14080]  }
0xc1: {  	v3 =	vld [tilespmem:s30+$0x14020]  }
0xc2: {  	v4 =	vld [tilespmem:s30+$0x14010]  }
0xc3: {  	v5 =	vld [tilespmem:s30+$0x8010]  }
0xc4: {  	v6 =	vld [tilespmem:s30+$0x8000]  }
0xc5: {  	s0 =	simm.s32 $0x400;
	v2 =	vsub.f32 v2, v8;
	v8 =	vld [tilespmem:s30+$0x14000];
	v7 =	vsub.f32 v7, v9  }
.LBB2_10:
0xc6: {  	p0 =	sne.s32 s0, $0xFC00;
	v9 =	vld [tilespmem:s30+$0x8020];
	s1 =	smov.u32 s0;
	s0 =	sadd.s32 $0x400, s0  }
0xc7: {  	v10 =	vld [tilespmem:s30+$0x140B0];
	v7 =	vand.u32 $0x7FFFFFFF, v7  }
0xc8: {  	v11 =	vld [tilespmem:s30+$0x140A0];
	v4 =	vsub.f32 v5, v4  }
0xc9: {  	v5 =	vld [tilespmem:s30+$0x14090]  }
0xca: {  	v12 =	vld [tilespmem:s30+$0x8090];
	v6 =	vsub.f32 v6, v8;
	v4 =	vand.u32 $0x7FFFFFFF, v4  }
0xcb: {  	v8 =	vld [tilespmem:s30+$0x80A0];
	v3 =	vsub.f32 v9, v3  }
0xcc: {  	v9 =	vld [tilespmem:s30+$0x80B0];
	v6 =	vand.u32 $0x7FFFFFFF, v6  }
0xcd: {  	v4 =	vshrl.u32 v4, $0x10;
	v3 =	vand.u32 $0x7FFFFFFF, v3;
	v6 =	vshrl.u32 v6, $0x10  }
0xce: {  	s30 =	sshra.s32 s1, $0x2;
	v3 =	vshrl.u32 v3, $0x10  }
0xcf: {  	v2 =	vand.u32 $0x7FFFFFFF, v2;
	v5 =	vsub.f32 v12, v5  }
0xd0: {  	v2 =	vshrl.u32 v2, $0x10;
	v8 =	vsub.f32 v8, v11  }
0xd1: {  	v7 =	vshrl.u32 v7, $0x10;
	v5 =	vand.u32 $0x7FFFFFFF, v5;
	v9 =	vsub.f32 v9, v10  }
0xd2: {  	v8 =	vand.u32 $0x7FFFFFFF, v8;
	v5 =	vshrl.u32 v5, $0x10;
	[tilespmem:v6+s19+$0x0] =	vst.idx.add.s32.msk $0xffff, v1  }
0xd3: {  	v6 =	vand.u32 $0x7FFFFFFF, v9;
	v8 =	vshrl.u32 v8, $0x10;
	[tilespmem:v4+s19+$0x0] =	vst.idx.add.s32.msk $0xffff, v1  }
0xd4: {  	v4 =	vshrl.u32 v6, $0x10;
	[tilespmem:v3+s19+$0x0] =	vst.idx.add.s32.msk $0xffff, v1  }
0xd5: {  	[tilespmem:v2+s19+$0x0] =	vst.idx.add.s32.msk $0xffff, v1  }
0xd6: {  	[tilespmem:v7+s19+$0x0] =	vst.idx.add.s32.msk $0xffff, v1  }
0xd7: {  	[tilespmem:v5+s19+$0x0] =	vst.idx.add.s32.msk $0xffff, v1  }
0xd8: {  	[tilespmem:v8+s19+$0x0] =	vst.idx.add.s32.msk $0xffff, v1  }
0xd9: {  	[tilespmem:v4+s19+$0x0] =	vst.idx.add.s32.msk $0xffff, v1  }
0xda: {  	v7 =	vld [tilespmem:s30+$0x8080]  }
0xdb: {  	v2 =	vld [tilespmem:s30+$0x8030]  }
0xdc: {  	v8 =	vld [tilespmem:s30+$0x14030]  }
0xdd: {  	v9 =	vld [tilespmem:s30+$0x14080]  }
.Ltmp6:
0xde: {  	v3 =	vld [tilespmem:s30+$0x14020];
	(pc) =	sbr.rel @p0 .LBB2_10-.Ltmp6, $4  }
0xdf: {  	v4 =	vld [tilespmem:s30+$0x14010]  }
0xe0: {  	v5 =	vld [tilespmem:s30+$0x8010]  }
0xe1: {  	v6 =	vld [tilespmem:s30+$0x8000];
	v2 =	vsub.f32 v2, v8  }
0xe2: {  	v8 =	vld [tilespmem:s30+$0x14000];
	v7 =	vsub.f32 v7, v9  }
0xe3: {  	v9 =	vld [tilespmem:s30+$0x8020]  }
0xe4: {  	v10 =	vld [tilespmem:s30+$0x140B0]  }
0xe5: {  	v11 =	vld [tilespmem:s30+$0x140A0]  }
0xe6: {  	v12 =	vld [tilespmem:s30+$0x14090]  }
0xe7: {  	v58 =	vld [tilespmem:s30+$0x8090];
	v6 =	vsub.f32 v6, v8  }
0xe8: {  	v59 =	vld [tilespmem:s30+$0x80A0];
	v4 =	vsub.f32 v5, v4  }
0xe9: {  	v60 =	vld [tilespmem:s30+$0x80B0];
	v3 =	vsub.f32 v9, v3;
	v6 =	vand.u32 $0x7FFFFFFF, v6  }
0xea: {  	v4 =	vand.u32 $0x7FFFFFFF, v4;
	v6 =	vshrl.u32 v6, $0x10  }
0xeb: {  	v4 =	vshrl.u32 v4, $0x10;
	v3 =	vand.u32 $0x7FFFFFFF, v3  }
0xec: {  	v2 =	vand.u32 $0x7FFFFFFF, v2;
	v8 =	vsub.f32 v58, v12;
	v3 =	vshrl.u32 v3, $0x10  }
0xed: {  	v7 =	vand.u32 $0x7FFFFFFF, v7;
	v2 =	vshrl.u32 v2, $0x10;
	v5 =	vsub.f32 v59, v11  }
0xee: {  	v7 =	vshrl.u32 v7, $0x10;
	v9 =	vsub.f32 v60, v10;
	v8 =	vand.u32 $0x7FFFFFFF, v8  }
0xef: {  	v5 =	vand.u32 $0x7FFFFFFF, v5;
	v8 =	vshrl.u32 v8, $0x10;
	[tilespmem:v6+s19+$0x0] =	vst.idx.add.s32.msk $0xffff, v1  }
0xf0: {  	v61 =	vand.u32 $0x7FFFFFFF, v9;
	v5 =	vshrl.u32 v5, $0x10;
	[tilespmem:v4+s19+$0x0] =	vst.idx.add.s32.msk $0xffff, v1  }
0xf1: {  	v62 =	vshrl.u32 v61, $0x10;
	[tilespmem:v3+s19+$0x0] =	vst.idx.add.s32.msk $0xffff, v1  }
.Ltmp7:
0xf2: {  	[tilespmem:v2+s19+$0x0] =	vst.idx.add.s32.msk $0xffff, v1;
	(pc) =	sbr.rel .LBB2_4-.Ltmp7, $4  }
0xf3: {  	[tilespmem:v7+s19+$0x0] =	vst.idx.add.s32.msk $0xffff, v1  }
0xf4: {  	[tilespmem:v8+s19+$0x0] =	vst.idx.add.s32.msk $0xffff, v1  }
0xf5: {  	[tilespmem:v5+s19+$0x0] =	vst.idx.add.s32.msk $0xffff, v1  }
0xf6: {  	s29 =	sadd.s32 $0x1, s29;
	[tilespmem:v62+s19+$0x0] =	vst.idx.add.s32.msk $0xffff, v1  }
.LBB2_13:
0xf7: {  	_ =	sfence.sel $0x180000  }
0xf8: {  	[bflag:$0x0] =	sbarrier.arrive $0xFFFF  }
0xf9: {  	_ =	strace $0x90000047  }
0xfa: {  	s0 =	stileid.u32;
	[bflag:$0x2] =	sbarrier.arrive $0xFFFF  }
0xfb: {  	p0 =	sne.s32 s0, $0x0;
	s0 =	rddreg [dreg:$0x1]  }
0xfc: {  	s0 =	sadd.s32 @!p0 $0x100000, s0  }
0xfd: {  	[sflag:s0] =	ssyncadd.tile.s32 @!p0 $0x1;
	_ =	shalt  }
.Lfunc_end2:
_tile_overlayer_lowered:
.L_overlay_start_2:
0xfe: {  	(tag) =	ssettag $0x2  }
0xff: {  	s0 =	rddreg [dreg:$0x0];
	s2 =	stileid.u32  }
0x100: {  	s1 =	rddreg [dreg:$0x1];
	p0 =	sne.s32 s2, $0x0  }
0x101: {  	s3 =	rddreg [dreg:$0x2];
	[bflag:$0x3] =	sbarrier.arrive $0xFFFF;
	s2 =	simm.s32 @!p0 $0x1C07  }
0x102: {  	[timem:s3], [sflag:s2] =	dma.local @!p0 [hbm:s0], s1  }
0x103: {  	s0 =	simm.s32 @!p0 $0x7  }
0x104: {  	_ =	swait.ge @!p0 [sflag:s0], s1  }
0x105: {  	s1 =	ssub.s32 @!p0 $0x0, s1;
	[sflag:s0] =	ssyncset.done @!p0 $0x0  }
0x106: {  	[sflag:s0] =	ssyncadd.s32 @!p0 s1  }
0x107: {  	[bflag:$0x3] =	sbarrier.arrive $0xFFFF  }
0x108: {  	_ =	shalt  }

</sc_bundles>
